<compile_context>
chip_gen: v7x
topology: tpu7x:2x2x1
jax: 0.10.2.dev20260603
libtpu: 0.0.44.dev20260713+nightly
codegen_flags: <defaults>
</compile_context>

<pallas_src>
import functools

import jax
import jax.numpy as jnp
from jax import lax
from jax.experimental import pallas as pl
from jax.experimental.pallas import tpu as pltpu
from jax.experimental.pallas import tpu_sc as plsc

S = 2048
D = 1024
H = 16
HD = 64
E = 8
F = 4096
T = S
TILE = 128
NT = 40
PADT = NT * TILE
NEG = -1e30

_NC = 2
_NW = _NC * 16
_TPW = T // _NW



def _bdot(a, b):
    return jnp.dot(a.astype(jnp.bfloat16), b.astype(jnp.bfloat16),
                   preferred_element_type=jnp.float32)

def _qkv_body(x_ref, w_ref, b_ref, o_ref):
    o_ref[...] = (_bdot(x_ref[...], w_ref[...])
                  + b_ref[0:1, :]).astype(jnp.bfloat16)


def _make_attn_body(row0, kw):
    def body(q_ref, k_ref, v_ref, o_ref):
        qi = pl.program_id(1)
        q2 = q_ref[...]
        k2 = k_ref[...]
        v2 = v_ref[...]
        row = row0 + qi * 256 + lax.broadcasted_iota(jnp.int32, (256, kw), 0)
        col = lax.broadcasted_iota(jnp.int32, (256, kw), 1)
        causal = col <= row
        for sub in range(2):
            qh = q2[:, sub * HD:(sub + 1) * HD]
            kh = k2[:, sub * HD:(sub + 1) * HD]
            vh = v2[:, sub * HD:(sub + 1) * HD]
            s = lax.dot_general(qh, kh, (((1,), (1,)), ((), ())),
                                preferred_element_type=jnp.float32) * (1.0 / 8.0)
            s = jnp.where(causal, s, NEG)
            m = jnp.max(s, axis=-1, keepdims=True)
            p = jnp.exp(s - m)
            l = jnp.sum(p, axis=-1, keepdims=True)
            o_ref[:, sub * HD:(sub + 1) * HD] = (
                _bdot(p, vh) * (1.0 / l)).astype(jnp.bfloat16)
    return body


def _attn_call(qkv, row0, kw, nq):
    r0b = row0 // 256
    return pl.pallas_call(
        _make_attn_body(row0, kw),
        grid=(H // 2, nq),
        in_specs=[pl.BlockSpec((256, 128), lambda h, i: (i + r0b, h)),
                  pl.BlockSpec((kw, 128), lambda h, i: (0, 8 + h)),
                  pl.BlockSpec((kw, 128), lambda h, i: (0, 16 + h))],
        out_specs=pl.BlockSpec((256, 128), lambda h, i: (i, h)),
        out_shape=jax.ShapeDtypeStruct((nq * 256, D), jnp.bfloat16),
        compiler_params=pltpu.CompilerParams(
            vmem_limit_bytes=100 * 1024 * 1024),
    )(qkv, qkv, qkv)


def _proj_body(c_ref, w_ref, b_ref, x_ref, o_ref):
    o_ref[...] = x_ref[...] + b_ref[0:1, :] + _bdot(c_ref[...], w_ref[...])


def _route_body(h_ref, rw_ref, rb_ref, cw_ref, dest_ref, te_ref):
    hdn = h_ref[...]
    logits = _bdot(hdn, rw_ref[...]) + rb_ref[0:1, :]
    lane = lax.broadcasted_iota(jnp.int32, (T, 128), 1)
    logits = jnp.where(lane < E, logits, NEG)
    m = jnp.max(logits, axis=-1, keepdims=True)
    p = jnp.exp(logits - m)
    probs = p / jnp.sum(p, axis=-1, keepdims=True)
    m1 = jnp.max(probs, axis=-1, keepdims=True)
    i1 = jnp.min(jnp.where(probs == m1, lane, 128), axis=-1, keepdims=True)
    probs2 = jnp.where(lane == i1, -1.0, probs)
    m2 = jnp.max(probs2, axis=-1, keepdims=True)
    i2 = jnp.min(jnp.where(probs2 == m2, lane, 128), axis=-1, keepdims=True)
    den = m1 + m2
    cw1 = m1 / den
    cw2 = m2 / den
    am = ((lane == i1) | (lane == i2)).astype(jnp.int32)
    cs = am
    sh = 1
    while sh < T:
        z = jnp.zeros((sh, 128), jnp.int32)
        cs = cs + jnp.concatenate([z, cs[:-sh, :]], axis=0)
        sh *= 2
    ranks = cs - am
    counts = cs[T - 1:T, :]
    tiles_e = (counts + (TILE - 1)) // TILE
    tef = jnp.broadcast_to(tiles_e.astype(jnp.float32), (8, 128))
    r_i = lax.broadcasted_iota(jnp.int32, (128, 128), 0)
    c_i = lax.broadcasted_iota(jnp.int32, (128, 128), 1)
    tri = (r_i <= c_i).astype(jnp.float32)
    cum_i = jnp.dot(tef, tri,
                    preferred_element_type=jnp.float32)[0:1, :].astype(jnp.int32)
    po = (cum_i - tiles_e) * TILE
    slot = po + ranks
    d1 = jnp.sum(jnp.where(lane == i1, slot, 0), axis=-1, keepdims=True)
    d2 = jnp.sum(jnp.where(lane == i2, slot, 0), axis=-1, keepdims=True)
    cw_ref[...] = jnp.where(lane == 0, cw1, jnp.where(lane == 1, cw2, 0.0))
    dest_ref[...] = jnp.where(lane == 0, d1, jnp.where(lane == 1, d2, 0))
    eye = (lax.broadcasted_iota(jnp.int32, (8, 128), 0)
           == lax.broadcasted_iota(jnp.int32, (8, 128), 1))
    cum_col = jnp.sum(jnp.where(eye, jnp.broadcast_to(cum_i, (8, 128)), 0),
                      axis=-1, keepdims=True)
    lane8 = lax.broadcasted_iota(jnp.int32, (8, 128), 1)
    te2d = jnp.sum((lane8 >= cum_col).astype(jnp.int32), axis=0, keepdims=True)
    te_ref[...] = jnp.broadcast_to(jnp.minimum(te2d, E - 1), (8, 128))


def _gmm1_body(te_sref, x_ref, w1_ref, b1_ref, o_ref, w1b_ref):
    i = pl.program_id(0)
    changed = (i == 0) | (te_sref[i] != te_sref[jnp.maximum(i - 1, 0)])

    @pl.when(changed)
    def _():
        w1b_ref[...] = w1_ref[0].astype(jnp.bfloat16)

    h1 = jnp.dot(x_ref[...].astype(jnp.bfloat16), w1b_ref[...],
                 preferred_element_type=jnp.float32) + b1_ref[0]
    o_ref[...] = jax.nn.gelu(h1, approximate=True).astype(jnp.bfloat16)


def _gmm2_body(te_sref, h1_ref, w2_ref, b2_ref, o_ref, w2b_ref):
    i = pl.program_id(0)
    changed = (i == 0) | (te_sref[i] != te_sref[jnp.maximum(i - 1, 0)])

    @pl.when(changed)
    def _():
        w2b_ref[...] = w2_ref[0].astype(jnp.bfloat16)

    o_ref[...] = jnp.dot(h1_ref[...], w2b_ref[...],
                         preferred_element_type=jnp.float32) + b2_ref[0]


def _fin_body(h_ref, g0_ref, g1_ref, cw_ref, o_ref):
    o_ref[...] = (h_ref[...] + cw_ref[:, 0:1] * g0_ref[...]
                  + cw_ref[:, 1:2] * g1_ref[...])


def _sc_mesh():
    return plsc.VectorSubcoreMesh(core_axis_name="c", subcore_axis_name="s")


def _sc_dispatch(hidden, d0, d1):
    @functools.partial(
        pl.kernel, mesh=_sc_mesh(),
        out_type=jax.ShapeDtypeStruct((PADT, D), jnp.float32),
        scratch_types=[pltpu.VMEM((_TPW, D), jnp.float32),
                       pltpu.VMEM((_TPW,), jnp.int32),
                       pltpu.VMEM((_TPW,), jnp.int32),
                       pltpu.SemaphoreType.DMA,
                       pltpu.SemaphoreType.DMA],
    )
    def run(h_hbm, d0_hbm, d1_hbm, x_hbm, h_v, i0_v, i1_v, s0, s1):
        wid = lax.axis_index("s") * _NC + lax.axis_index("c")
        base = wid * _TPW
        pltpu.sync_copy(h_hbm.at[pl.ds(base, _TPW)], h_v)
        pltpu.sync_copy(d0_hbm.at[pl.ds(base, _TPW)], i0_v)
        pltpu.sync_copy(d1_hbm.at[pl.ds(base, _TPW)], i1_v)
        c0 = pltpu.async_copy(h_v, x_hbm.at[i0_v], s0)
        c1 = pltpu.async_copy(h_v, x_hbm.at[i1_v], s1)
        c0.wait()
        c1.wait()

    return run(hidden, d0, d1)


def _sc_combine(y, idx_all):
    @functools.partial(
        pl.kernel, mesh=_sc_mesh(),
        out_type=jax.ShapeDtypeStruct((2 * T, D), jnp.float32),
        scratch_types=[pltpu.VMEM((_TPW, D), jnp.float32),
                       pltpu.VMEM((_TPW,), jnp.int32),
                       pltpu.SemaphoreType.DMA],
    )
    def run(y_hbm, idx_hbm, g_hbm, rows_v, idx_v, sem):
        wid = lax.axis_index("s") * _NC + lax.axis_index("c")
        for cch in range(2):
            base = wid * (2 * _TPW) + cch * _TPW
            pltpu.sync_copy(idx_hbm.at[pl.ds(base, _TPW)], idx_v)
            pltpu.async_copy(y_hbm.at[idx_v], rows_v, sem).wait()
            pltpu.sync_copy(rows_v, g_hbm.at[pl.ds(base, _TPW)])

    return run(y, idx_all)


def kernel(hidden_states, c_attn_w, c_attn_b, c_proj_w, c_proj_b,
           router_w, router_b, expert_w1, expert_b1, expert_w2, expert_b2):
    x = hidden_states.reshape(S, D)

    b2d = jnp.broadcast_to(c_attn_b.reshape(1, 3 * D), (8, 3 * D))
    xb = x.astype(jnp.bfloat16)
    wqkvb = c_attn_w.astype(jnp.bfloat16)
    qkv = pl.pallas_call(
        _qkv_body,
        grid=(6,),
        in_specs=[pl.BlockSpec((S, D), lambda j: (0, 0)),
                  pl.BlockSpec((D, 512), lambda j: (0, j)),
                  pl.BlockSpec((8, 512), lambda j: (0, j))],
        out_specs=pl.BlockSpec((S, 512), lambda j: (0, j)),
        out_shape=jax.ShapeDtypeStruct((S, 3 * D), jnp.bfloat16),
        compiler_params=pltpu.CompilerParams(
            vmem_limit_bytes=100 * 1024 * 1024),
    )(xb, wqkvb, b2d)

    ctx_flat = jnp.concatenate([
        _attn_call(qkv, 0, 1024, 4),
        _attn_call(qkv, 1024, 2048, 4),
    ], axis=0)
    bp = jnp.broadcast_to(c_proj_b.reshape(1, D), (8, D))
    wpb = c_proj_w.astype(jnp.bfloat16)
    hidden = pl.pallas_call(
        _proj_body,
        grid=(2, 8),
        in_specs=[pl.BlockSpec((256, D), lambda j, i: (i, 0)),
                  pl.BlockSpec((D, 512), lambda j, i: (0, j)),
                  pl.BlockSpec((8, 512), lambda j, i: (0, j)),
                  pl.BlockSpec((256, 512), lambda j, i: (i, j))],
        out_specs=pl.BlockSpec((256, 512), lambda j, i: (i, j)),
        out_shape=jax.ShapeDtypeStruct((S, D), jnp.float32),
    )(ctx_flat, wpb, bp, x)

    rw = jnp.pad(router_w, ((0, 0), (0, 128 - E)))
    rb = jnp.pad(router_b.reshape(1, E), ((0, 7), (0, 128 - E)))
    cwA, destB, teC = pl.pallas_call(
        _route_body,
        grid=(1,),
        in_specs=[pl.BlockSpec((T, D), lambda i: (0, 0)),
                  pl.BlockSpec((D, 128), lambda i: (0, 0)),
                  pl.BlockSpec((8, 128), lambda i: (0, 0))],
        out_specs=[pl.BlockSpec((T, 128), lambda i: (0, 0)),
                   pl.BlockSpec((T, 128), lambda i: (0, 0)),
                   pl.BlockSpec((8, 128), lambda i: (0, 0))],
        out_shape=[jax.ShapeDtypeStruct((T, 128), jnp.float32),
                   jax.ShapeDtypeStruct((T, 128), jnp.int32),
                   jax.ShapeDtypeStruct((8, 128), jnp.int32)],
        compiler_params=pltpu.CompilerParams(
            vmem_limit_bytes=100 * 1024 * 1024),
    )(hidden, rw, rb)
    d0 = destB[:, 0]
    d1 = destB[:, 1]
    te = teC[0, :NT]

    xs = _sc_dispatch(hidden, d0, d1)

    b1r = expert_b1.reshape(E, 1, F)
    b2r = expert_b2.reshape(E, 1, D)
    h1 = pl.pallas_call(
        _gmm1_body,
        grid_spec=pltpu.PrefetchScalarGridSpec(
            num_scalar_prefetch=1,
            grid=(NT,),
            in_specs=[pl.BlockSpec((TILE, D), lambda i, te_s: (i, 0)),
                      pl.BlockSpec((1, D, F), lambda i, te_s: (te_s[i], 0, 0)),
                      pl.BlockSpec((1, 1, F), lambda i, te_s: (te_s[i], 0, 0))],
            out_specs=pl.BlockSpec((TILE, F), lambda i, te_s: (i, 0)),
            scratch_shapes=[pltpu.VMEM((D, F), jnp.bfloat16)],
        ),
        out_shape=jax.ShapeDtypeStruct((PADT, F), jnp.bfloat16),
        compiler_params=pltpu.CompilerParams(
            vmem_limit_bytes=110 * 1024 * 1024),
    )(te, xs, expert_w1, b1r)
    y = pl.pallas_call(
        _gmm2_body,
        grid_spec=pltpu.PrefetchScalarGridSpec(
            num_scalar_prefetch=1,
            grid=(NT,),
            in_specs=[pl.BlockSpec((TILE, F), lambda i, te_s: (i, 0)),
                      pl.BlockSpec((1, F, D), lambda i, te_s: (te_s[i], 0, 0)),
                      pl.BlockSpec((1, 1, D), lambda i, te_s: (te_s[i], 0, 0))],
            out_specs=pl.BlockSpec((TILE, D), lambda i, te_s: (i, 0)),
            scratch_shapes=[pltpu.VMEM((F, D), jnp.bfloat16)],
        ),
        out_shape=jax.ShapeDtypeStruct((PADT, D), jnp.float32),
        compiler_params=pltpu.CompilerParams(
            vmem_limit_bytes=110 * 1024 * 1024),
    )(te, h1, expert_w2, b2r)

    idx_all = jnp.concatenate([d0, d1], axis=0)
    g = _sc_combine(y, idx_all)

    out = pl.pallas_call(
        _fin_body,
        grid=(S // 128,),
        in_specs=[pl.BlockSpec((128, D), lambda i: (i, 0)),
                  pl.BlockSpec((128, D), lambda i: (i, 0)),
                  pl.BlockSpec((128, D), lambda i: (i + S // 128, 0)),
                  pl.BlockSpec((128, 128), lambda i: (i, 0))],
        out_specs=pl.BlockSpec((128, D), lambda i: (i, 0)),
        out_shape=jax.ShapeDtypeStruct((S, D), jnp.float32),
    )(hidden, g, g, cwA)
    return out.reshape(1, S, D)

# --- scband reference (transcript-rebuilt; emitter-appended) ---
"""Pipeline reference for scband-gpt2-mo-eblock-72696616452408 (READ-ONLY COPY).

The authoritative reference and input builder live on the scoring server;
editing this copy changes nothing except your own understanding.
"""

import jax, jax.numpy as jnp
import numpy as np

B, S, D, H, E, K, F = 1, 2048, 1024, 16, 8, 2, 4096
HD = D // H


def setup_inputs(seed: int = 0) -> dict:
    key = jax.random.key(seed)
    ks = jax.random.split(key, 12)
    s = 0.02
    return {
        "hidden_states": jax.random.normal(ks[0], (B, S, D), dtype=jnp.float32),
        "c_attn_w": jax.random.normal(ks[1], (D, 3 * D), dtype=jnp.float32) * s,
        "c_attn_b": jnp.zeros((3 * D,), dtype=jnp.float32),
        "c_proj_w": jax.random.normal(ks[2], (D, D), dtype=jnp.float32) * s,
        "c_proj_b": jnp.zeros((D,), dtype=jnp.float32),
        "router_w": jax.random.normal(ks[3], (D, E), dtype=jnp.float32) * s,
        "router_b": jnp.zeros((E,), dtype=jnp.float32),
        "expert_w1": jax.random.normal(ks[4], (E, D, F), dtype=jnp.float32) * s,
        "expert_b1": jnp.zeros((E, F), dtype=jnp.float32),
        "expert_w2": jax.random.normal(ks[5], (E, F, D), dtype=jnp.float32) * s,
        "expert_b2": jnp.zeros((E, D), dtype=jnp.float32),
    }


def _gelu(x):
    # GPT-2 'gelu_new' (tanh approximation)
    return jax.nn.gelu(x, approximate=True)


def reference(hidden_states, c_attn_w, c_attn_b, c_proj_w, c_proj_b,
              router_w, router_b, expert_w1, expert_b1, expert_w2, expert_b2):
    x = hidden_states
    # ---- GPT-2 self-attention (block.attn called directly on hidden_states) ----
    qkv = x @ c_attn_w + c_attn_b                       # [B, S, 3D]
    q, k, v = jnp.split(qkv, 3, axis=-1)
    def heads(t):
        return t.reshape(B, S, H, HD).transpose(0, 2, 1, 3)  # [B, H, S, HD]
    q, k, v = heads(q), heads(k), heads(v)
    scores = jnp.einsum('bhqd,bhkd->bhqk', q, k) / jnp.sqrt(jnp.float32(HD))
    causal = jnp.tril(jnp.ones((S, S), dtype=bool))
    scores = jnp.where(causal[None, None, :, :], scores, jnp.finfo(scores.dtype).min)
    probs = jax.nn.softmax(scores, axis=-1)
    ctx = jnp.einsum('bhqk,bhkd->bhqd', probs, v)
    ctx = ctx.transpose(0, 2, 1, 3).reshape(B, S, D)
    attn_out = ctx @ c_proj_w + c_proj_b
    # residual
    hidden = x + attn_out                                # [B, S, D]

    # ---- MoE FFN layer (top-k routing over E experts, eval mode: no jitter/dropout) ----
    h = hidden.reshape(-1, D)                            # [T, D]
    logits = h @ router_w + router_b                     # [T, E]
    route_probs = jax.nn.softmax(logits, axis=-1)
    top_vals, top_idx = jax.lax.top_k(route_probs, K)    # [T, K]
    top_vals = top_vals / jnp.sum(top_vals, axis=-1, keepdims=True)
    combine = jnp.sum(jax.nn.one_hot(top_idx, E, dtype=h.dtype) * top_vals[..., None], axis=1)  # [T, E]
    h1 = jnp.einsum('td,edf->etf', h, expert_w1) + expert_b1[:, None, :]   # [E, T, F]
    h1 = _gelu(h1)
    h2 = jnp.einsum('etf,efd->etd', h1, expert_w2) + expert_b2[:, None, :]  # [E, T, D]
    moe_out = jnp.einsum('te,etd->td', combine, h2)      # [T, D]

    out = hidden + moe_out.reshape(B, S, D)
    return out

if __name__ == "__main__":
    import jax
    _d = setup_inputs()
    print(jax.jit(kernel)(*tuple(_d.values())))

</pallas_src>

<mosaic_0001>
#map = affine_map<(d0, d1) -> (0, 0)>
#map1 = affine_map<(d0, d1) -> (0)>
module attributes {stable_mosaic.version = 14 : i64} {
  func.func @run(%arg0: i32, %arg1: i32, %arg2: memref<5120x1024xf32, #tpu.memory_space<hbm>>, %arg3: memref<4096xi32, #tpu.memory_space<hbm>>, %arg4: memref<4096x1024xf32, #tpu.memory_space<hbm>>, %arg5: memref<64x1024xf32, #tpu.memory_space<vmem>>, %arg6: memref<64xi32, #tpu.memory_space<vmem>>, %arg7: memref<!tpu.dma_semaphore, #tpu.memory_space<semaphore_mem>>) attributes {dimension_semantics = [#tpu.dimension_semantics<core_parallel>, #tpu.dimension_semantics<subcore_parallel>], iteration_bounds = array<i64: 2, 16>, scalar_prefetch = 0 : i64, scratch_operands = 3 : i64, tpu.core_type = #tpu.core_type<sc_vector_subcore>, window_params = [{transform_indices = #map}, {transform_indices = #map1}, {transform_indices = #map}]} {
    %mul3A = arith.constant 2 : i32
    %mul3A_0 = arith.muli %arg1, %mul3A : i32
    %add3A = arith.addi %mul3A_0, %arg0 : i32
    %mul3A_1 = arith.constant 128 : i32
    %mul3A_2 = arith.muli %add3A, %mul3A_1 : i32
    %add3A_3 = arith.constant 0 : i32
    %add3A_4 = arith.addi %mul3A_2, %add3A_3 : i32
    "tpu.region"() ({
      %run_scoped3A = tpu.sem_alloc : memref<!tpu.dma_semaphore, #tpu.memory_space<semaphore_mem>>
      %dma_start3A_19 = tpu.memref_slice %arg3[%add3A_4] : memref<4096xi32, #tpu.memory_space<hbm>> -> memref<64xi32, #tpu.memory_space<hbm>>
      %dma_start3A_20 = tpu.memref_slice %arg3[%add3A_4] : memref<4096xi32, #tpu.memory_space<hbm>> -> memref<64xi32, #tpu.memory_space<hbm>>
      tpu.enqueue_dma source(%dma_start3A_20 : memref<64xi32, #tpu.memory_space<hbm>>) target(%arg6 : memref<64xi32, #tpu.memory_space<vmem>>) target_semaphore(%run_scoped3A : memref<!tpu.dma_semaphore, #tpu.memory_space<semaphore_mem>>)
      %dma_wait3A_21 = tpu.memref_slice %arg3[%add3A_4] : memref<4096xi32, #tpu.memory_space<hbm>> -> memref<64xi32, #tpu.memory_space<hbm>>
      %dma_wait3A_22 = tpu.memref_slice %arg3[%add3A_4] : memref<4096xi32, #tpu.memory_space<hbm>> -> memref<64xi32, #tpu.memory_space<hbm>>
      tpu.wait_dma2 semaphore(%run_scoped3A : memref<!tpu.dma_semaphore, #tpu.memory_space<semaphore_mem>>) src(%dma_wait3A_22 : memref<64xi32, #tpu.memory_space<hbm>>) dst(%arg6 : memref<64xi32, #tpu.memory_space<vmem>>)
      tpu.yield
    }) : () -> ()
    %dma_start3A = arith.constant 0 : i32
    %dma_start3A_5 = arith.constant 0 : i32
    %dma_start3A_6 = tpu.memref_slice %arg2[%dma_start3A, %dma_start3A_5] : memref<5120x1024xf32, #tpu.memory_space<hbm>> -> memref<5120x1024xf32, #tpu.memory_space<hbm>>
    tpu.enqueue_indirect_dma source(%dma_start3A_6 : memref<5120x1024xf32, #tpu.memory_space<hbm>>) target(%arg5 : memref<64x1024xf32, #tpu.memory_space<vmem>>) offsets(%arg6 : memref<64xi32, #tpu.memory_space<vmem>>) semaphore(%arg7 : memref<!tpu.dma_semaphore, #tpu.memory_space<semaphore_mem>>)
    %dma_wait3A = arith.constant 0 : i32
    %dma_wait3A_7 = arith.constant 0 : i32
    %dma_wait3A_8 = tpu.memref_slice %arg2[%dma_wait3A, %dma_wait3A_7] : memref<5120x1024xf32, #tpu.memory_space<hbm>> -> memref<5120x1024xf32, #tpu.memory_space<hbm>>
    tpu.wait_indirect_dma semaphore(%arg7 : memref<!tpu.dma_semaphore, #tpu.memory_space<semaphore_mem>>) src(%dma_wait3A_8 : memref<5120x1024xf32, #tpu.memory_space<hbm>>) dst(%arg5 : memref<64x1024xf32, #tpu.memory_space<vmem>>)
    "tpu.region"() ({
      %run_scoped3A = tpu.sem_alloc : memref<!tpu.dma_semaphore, #tpu.memory_space<semaphore_mem>>
      %dma_start3A_19 = arith.constant 0 : i32
      %dma_start3A_20 = tpu.memref_slice %arg4[%add3A_4, %dma_start3A_19] : memref<4096x1024xf32, #tpu.memory_space<hbm>> -> memref<64x1024xf32, #tpu.memory_space<hbm>>
      %dma_start3A_21 = arith.constant 0 : i32
      %dma_start3A_22 = tpu.memref_slice %arg4[%add3A_4, %dma_start3A_21] : memref<4096x1024xf32, #tpu.memory_space<hbm>> -> memref<64x1024xf32, #tpu.memory_space<hbm>>
      tpu.enqueue_dma source(%arg5 : memref<64x1024xf32, #tpu.memory_space<vmem>>) target(%dma_start3A_22 : memref<64x1024xf32, #tpu.memory_space<hbm>>) target_semaphore(%run_scoped3A : memref<!tpu.dma_semaphore, #tpu.memory_space<semaphore_mem>>)
      %dma_wait3A_23 = arith.constant 0 : i32
      %dma_wait3A_24 = tpu.memref_slice %arg4[%add3A_4, %dma_wait3A_23] : memref<4096x1024xf32, #tpu.memory_space<hbm>> -> memref<64x1024xf32, #tpu.memory_space<hbm>>
      %dma_wait3A_25 = arith.constant 0 : i32
      %dma_wait3A_26 = tpu.memref_slice %arg4[%add3A_4, %dma_wait3A_25] : memref<4096x1024xf32, #tpu.memory_space<hbm>> -> memref<64x1024xf32, #tpu.memory_space<hbm>>
      tpu.wait_dma2 semaphore(%run_scoped3A : memref<!tpu.dma_semaphore, #tpu.memory_space<semaphore_mem>>) src(%arg5 : memref<64x1024xf32, #tpu.memory_space<vmem>>) dst(%dma_wait3A_26 : memref<64x1024xf32, #tpu.memory_space<hbm>>)
      tpu.yield
    }) : () -> ()
    %mul3A_9 = arith.constant 128 : i32
    %mul3A_10 = arith.muli %add3A, %mul3A_9 : i32
    %add3A_11 = arith.constant 64 : i32
    %add3A_12 = arith.addi %mul3A_10, %add3A_11 : i32
    "tpu.region"() ({
      %run_scoped3A = tpu.sem_alloc : memref<!tpu.dma_semaphore, #tpu.memory_space<semaphore_mem>>
      %dma_start3A_19 = tpu.memref_slice %arg3[%add3A_12] : memref<4096xi32, #tpu.memory_space<hbm>> -> memref<64xi32, #tpu.memory_space<hbm>>
      %dma_start3A_20 = tpu.memref_slice %arg3[%add3A_12] : memref<4096xi32, #tpu.memory_space<hbm>> -> memref<64xi32, #tpu.memory_space<hbm>>
      tpu.enqueue_dma source(%dma_start3A_20 : memref<64xi32, #tpu.memory_space<hbm>>) target(%arg6 : memref<64xi32, #tpu.memory_space<vmem>>) target_semaphore(%run_scoped3A : memref<!tpu.dma_semaphore, #tpu.memory_space<semaphore_mem>>)
      %dma_wait3A_21 = tpu.memref_slice %arg3[%add3A_12] : memref<4096xi32, #tpu.memory_space<hbm>> -> memref<64xi32, #tpu.memory_space<hbm>>
      %dma_wait3A_22 = tpu.memref_slice %arg3[%add3A_12] : memref<4096xi32, #tpu.memory_space<hbm>> -> memref<64xi32, #tpu.memory_space<hbm>>
      tpu.wait_dma2 semaphore(%run_scoped3A : memref<!tpu.dma_semaphore, #tpu.memory_space<semaphore_mem>>) src(%dma_wait3A_22 : memref<64xi32, #tpu.memory_space<hbm>>) dst(%arg6 : memref<64xi32, #tpu.memory_space<vmem>>)
      tpu.yield
    }) : () -> ()
    %dma_start3A_13 = arith.constant 0 : i32
    %dma_start3A_14 = arith.constant 0 : i32
    %dma_start3A_15 = tpu.memref_slice %arg2[%dma_start3A_13, %dma_start3A_14] : memref<5120x1024xf32, #tpu.memory_space<hbm>> -> memref<5120x1024xf32, #tpu.memory_space<hbm>>
    tpu.enqueue_indirect_dma source(%dma_start3A_15 : memref<5120x1024xf32, #tpu.memory_space<hbm>>) target(%arg5 : memref<64x1024xf32, #tpu.memory_space<vmem>>) offsets(%arg6 : memref<64xi32, #tpu.memory_space<vmem>>) semaphore(%arg7 : memref<!tpu.dma_semaphore, #tpu.memory_space<semaphore_mem>>)
    %dma_wait3A_16 = arith.constant 0 : i32
    %dma_wait3A_17 = arith.constant 0 : i32
    %dma_wait3A_18 = tpu.memref_slice %arg2[%dma_wait3A_16, %dma_wait3A_17] : memref<5120x1024xf32, #tpu.memory_space<hbm>> -> memref<5120x1024xf32, #tpu.memory_space<hbm>>
    tpu.wait_indirect_dma semaphore(%arg7 : memref<!tpu.dma_semaphore, #tpu.memory_space<semaphore_mem>>) src(%dma_wait3A_18 : memref<5120x1024xf32, #tpu.memory_space<hbm>>) dst(%arg5 : memref<64x1024xf32, #tpu.memory_space<vmem>>)
    "tpu.region"() ({
      %run_scoped3A = tpu.sem_alloc : memref<!tpu.dma_semaphore, #tpu.memory_space<semaphore_mem>>
      %dma_start3A_19 = arith.constant 0 : i32
      %dma_start3A_20 = tpu.memref_slice %arg4[%add3A_12, %dma_start3A_19] : memref<4096x1024xf32, #tpu.memory_space<hbm>> -> memref<64x1024xf32, #tpu.memory_space<hbm>>
      %dma_start3A_21 = arith.constant 0 : i32
      %dma_start3A_22 = tpu.memref_slice %arg4[%add3A_12, %dma_start3A_21] : memref<4096x1024xf32, #tpu.memory_space<hbm>> -> memref<64x1024xf32, #tpu.memory_space<hbm>>
      tpu.enqueue_dma source(%arg5 : memref<64x1024xf32, #tpu.memory_space<vmem>>) target(%dma_start3A_22 : memref<64x1024xf32, #tpu.memory_space<hbm>>) target_semaphore(%run_scoped3A : memref<!tpu.dma_semaphore, #tpu.memory_space<semaphore_mem>>)
      %dma_wait3A_23 = arith.constant 0 : i32
      %dma_wait3A_24 = tpu.memref_slice %arg4[%add3A_12, %dma_wait3A_23] : memref<4096x1024xf32, #tpu.memory_space<hbm>> -> memref<64x1024xf32, #tpu.memory_space<hbm>>
      %dma_wait3A_25 = arith.constant 0 : i32
      %dma_wait3A_26 = tpu.memref_slice %arg4[%add3A_12, %dma_wait3A_25] : memref<4096x1024xf32, #tpu.memory_space<hbm>> -> memref<64x1024xf32, #tpu.memory_space<hbm>>
      tpu.wait_dma2 semaphore(%run_scoped3A : memref<!tpu.dma_semaphore, #tpu.memory_space<semaphore_mem>>) src(%arg5 : memref<64x1024xf32, #tpu.memory_space<vmem>>) dst(%dma_wait3A_26 : memref<64x1024xf32, #tpu.memory_space<hbm>>)
      tpu.yield
    }) : () -> ()
    return
  }
}

#map = affine_map<(d0, d1) -> (0, 0)>
#map1 = affine_map<(d0, d1) -> (0)>
module attributes {stable_mosaic.version = 14 : i64} {
  func.func @run(%arg0: i32, %arg1: i32, %arg2: memref<2048x1024xf32, #tpu.memory_space<hbm>>, %arg3: memref<2048xi32, #tpu.memory_space<hbm>>, %arg4: memref<2048xi32, #tpu.memory_space<hbm>>, %arg5: memref<5120x1024xf32, #tpu.memory_space<hbm>>, %arg6: memref<64x1024xf32, #tpu.memory_space<vmem>>, %arg7: memref<64xi32, #tpu.memory_space<vmem>>, %arg8: memref<64xi32, #tpu.memory_space<vmem>>, %arg9: memref<!tpu.dma_semaphore, #tpu.memory_space<semaphore_mem>>, %arg10: memref<!tpu.dma_semaphore, #tpu.memory_space<semaphore_mem>>) attributes {dimension_semantics = [#tpu.dimension_semantics<core_parallel>, #tpu.dimension_semantics<subcore_parallel>], iteration_bounds = array<i64: 2, 16>, scalar_prefetch = 0 : i64, scratch_operands = 5 : i64, tpu.core_type = #tpu.core_type<sc_vector_subcore>, window_params = [{transform_indices = #map}, {transform_indices = #map1}, {transform_indices = #map1}, {transform_indices = #map}]} {
    %mul3A = arith.constant 2 : i32
    %mul3A_0 = arith.muli %arg1, %mul3A : i32
    %add3A = arith.addi %mul3A_0, %arg0 : i32
    %mul3A_1 = arith.constant 64 : i32
    %mul3A_2 = arith.muli %add3A, %mul3A_1 : i32
    "tpu.region"() ({
      %run_scoped3A = tpu.sem_alloc : memref<!tpu.dma_semaphore, #tpu.memory_space<semaphore_mem>>
      %dma_start3A_13 = arith.constant 0 : i32
      %dma_start3A_14 = tpu.memref_slice %arg2[%mul3A_2, %dma_start3A_13] : memref<2048x1024xf32, #tpu.memory_space<hbm>> -> memref<64x1024xf32, #tpu.memory_space<hbm>>
      %dma_start3A_15 = arith.constant 0 : i32
      %dma_start3A_16 = tpu.memref_slice %arg2[%mul3A_2, %dma_start3A_15] : memref<2048x1024xf32, #tpu.memory_space<hbm>> -> memref<64x1024xf32, #tpu.memory_space<hbm>>
      tpu.enqueue_dma source(%dma_start3A_16 : memref<64x1024xf32, #tpu.memory_space<hbm>>) target(%arg6 : memref<64x1024xf32, #tpu.memory_space<vmem>>) target_semaphore(%run_scoped3A : memref<!tpu.dma_semaphore, #tpu.memory_space<semaphore_mem>>)
      %dma_wait3A_17 = arith.constant 0 : i32
      %dma_wait3A_18 = tpu.memref_slice %arg2[%mul3A_2, %dma_wait3A_17] : memref<2048x1024xf32, #tpu.memory_space<hbm>> -> memref<64x1024xf32, #tpu.memory_space<hbm>>
      %dma_wait3A_19 = arith.constant 0 : i32
      %dma_wait3A_20 = tpu.memref_slice %arg2[%mul3A_2, %dma_wait3A_19] : memref<2048x1024xf32, #tpu.memory_space<hbm>> -> memref<64x1024xf32, #tpu.memory_space<hbm>>
      tpu.wait_dma2 semaphore(%run_scoped3A : memref<!tpu.dma_semaphore, #tpu.memory_space<semaphore_mem>>) src(%dma_wait3A_20 : memref<64x1024xf32, #tpu.memory_space<hbm>>) dst(%arg6 : memref<64x1024xf32, #tpu.memory_space<vmem>>)
      tpu.yield
    }) : () -> ()
    "tpu.region"() ({
      %run_scoped3A = tpu.sem_alloc : memref<!tpu.dma_semaphore, #tpu.memory_space<semaphore_mem>>
      %dma_start3A_13 = tpu.memref_slice %arg3[%mul3A_2] : memref<2048xi32, #tpu.memory_space<hbm>> -> memref<64xi32, #tpu.memory_space<hbm>>
      %dma_start3A_14 = tpu.memref_slice %arg3[%mul3A_2] : memref<2048xi32, #tpu.memory_space<hbm>> -> memref<64xi32, #tpu.memory_space<hbm>>
      tpu.enqueue_dma source(%dma_start3A_14 : memref<64xi32, #tpu.memory_space<hbm>>) target(%arg7 : memref<64xi32, #tpu.memory_space<vmem>>) target_semaphore(%run_scoped3A : memref<!tpu.dma_semaphore, #tpu.memory_space<semaphore_mem>>)
      %dma_wait3A_15 = tpu.memref_slice %arg3[%mul3A_2] : memref<2048xi32, #tpu.memory_space<hbm>> -> memref<64xi32, #tpu.memory_space<hbm>>
      %dma_wait3A_16 = tpu.memref_slice %arg3[%mul3A_2] : memref<2048xi32, #tpu.memory_space<hbm>> -> memref<64xi32, #tpu.memory_space<hbm>>
      tpu.wait_dma2 semaphore(%run_scoped3A : memref<!tpu.dma_semaphore, #tpu.memory_space<semaphore_mem>>) src(%dma_wait3A_16 : memref<64xi32, #tpu.memory_space<hbm>>) dst(%arg7 : memref<64xi32, #tpu.memory_space<vmem>>)
      tpu.yield
    }) : () -> ()
    "tpu.region"() ({
      %run_scoped3A = tpu.sem_alloc : memref<!tpu.dma_semaphore, #tpu.memory_space<semaphore_mem>>
      %dma_start3A_13 = tpu.memref_slice %arg4[%mul3A_2] : memref<2048xi32, #tpu.memory_space<hbm>> -> memref<64xi32, #tpu.memory_space<hbm>>
      %dma_start3A_14 = tpu.memref_slice %arg4[%mul3A_2] : memref<2048xi32, #tpu.memory_space<hbm>> -> memref<64xi32, #tpu.memory_space<hbm>>
      tpu.enqueue_dma source(%dma_start3A_14 : memref<64xi32, #tpu.memory_space<hbm>>) target(%arg8 : memref<64xi32, #tpu.memory_space<vmem>>) target_semaphore(%run_scoped3A : memref<!tpu.dma_semaphore, #tpu.memory_space<semaphore_mem>>)
      %dma_wait3A_15 = tpu.memref_slice %arg4[%mul3A_2] : memref<2048xi32, #tpu.memory_space<hbm>> -> memref<64xi32, #tpu.memory_space<hbm>>
      %dma_wait3A_16 = tpu.memref_slice %arg4[%mul3A_2] : memref<2048xi32, #tpu.memory_space<hbm>> -> memref<64xi32, #tpu.memory_space<hbm>>
      tpu.wait_dma2 semaphore(%run_scoped3A : memref<!tpu.dma_semaphore, #tpu.memory_space<semaphore_mem>>) src(%dma_wait3A_16 : memref<64xi32, #tpu.memory_space<hbm>>) dst(%arg8 : memref<64xi32, #tpu.memory_space<vmem>>)
      tpu.yield
    }) : () -> ()
    %dma_start3A = arith.constant 0 : i32
    %dma_start3A_3 = arith.constant 0 : i32
    %dma_start3A_4 = tpu.memref_slice %arg5[%dma_start3A, %dma_start3A_3] : memref<5120x1024xf32, #tpu.memory_space<hbm>> -> memref<5120x1024xf32, #tpu.memory_space<hbm>>
    tpu.enqueue_indirect_dma source(%arg6 : memref<64x1024xf32, #tpu.memory_space<vmem>>) target(%dma_start3A_4 : memref<5120x1024xf32, #tpu.memory_space<hbm>>) offsets(%arg7 : memref<64xi32, #tpu.memory_space<vmem>>) semaphore(%arg9 : memref<!tpu.dma_semaphore, #tpu.memory_space<semaphore_mem>>)
    %dma_start3A_5 = arith.constant 0 : i32
    %dma_start3A_6 = arith.constant 0 : i32
    %dma_start3A_7 = tpu.memref_slice %arg5[%dma_start3A_5, %dma_start3A_6] : memref<5120x1024xf32, #tpu.memory_space<hbm>> -> memref<5120x1024xf32, #tpu.memory_space<hbm>>
    tpu.enqueue_indirect_dma source(%arg6 : memref<64x1024xf32, #tpu.memory_space<vmem>>) target(%dma_start3A_7 : memref<5120x1024xf32, #tpu.memory_space<hbm>>) offsets(%arg8 : memref<64xi32, #tpu.memory_space<vmem>>) semaphore(%arg10 : memref<!tpu.dma_semaphore, #tpu.memory_space<semaphore_mem>>)
    %dma_wait3A = arith.constant 0 : i32
    %dma_wait3A_8 = arith.constant 0 : i32
    %dma_wait3A_9 = tpu.memref_slice %arg5[%dma_wait3A, %dma_wait3A_8] : memref<5120x1024xf32, #tpu.memory_space<hbm>> -> memref<5120x1024xf32, #tpu.memory_space<hbm>>
    tpu.wait_indirect_dma semaphore(%arg9 : memref<!tpu.dma_semaphore, #tpu.memory_space<semaphore_mem>>) src(%arg6 : memref<64x1024xf32, #tpu.memory_space<vmem>>) dst(%dma_wait3A_9 : memref<5120x1024xf32, #tpu.memory_space<hbm>>)
    %dma_wait3A_10 = arith.constant 0 : i32
    %dma_wait3A_11 = arith.constant 0 : i32
    %dma_wait3A_12 = tpu.memref_slice %arg5[%dma_wait3A_10, %dma_wait3A_11] : memref<5120x1024xf32, #tpu.memory_space<hbm>> -> memref<5120x1024xf32, #tpu.memory_space<hbm>>
    tpu.wait_indirect_dma semaphore(%arg10 : memref<!tpu.dma_semaphore, #tpu.memory_space<semaphore_mem>>) src(%arg6 : memref<64x1024xf32, #tpu.memory_space<vmem>>) dst(%dma_wait3A_12 : memref<5120x1024xf32, #tpu.memory_space<hbm>>)
    return
  }
}

module attributes {stable_mosaic.version = 14 : i64} {
  func.func @_qkv_body(%arg0: i32, %arg1: memref<2048x1024xbf16, #tpu.memory_space<vmem>>, %arg2: memref<1024x512xbf16, #tpu.memory_space<vmem>>, %arg3: memref<8x512xf32, #tpu.memory_space<vmem>>, %arg4: memref<2048x512xbf16, #tpu.memory_space<vmem>>) attributes {dimension_semantics = [#tpu.dimension_semantics<arbitrary>], iteration_bounds = array<i64: 6>, scalar_prefetch = 0 : i64, scratch_operands = 0 : i64, tpu.core_type = #tpu.core_type<tc>, window_params = [{pipeline_mode = #tpu.pipeline_mode<synchronous>, transform_indices = @transform_0, window_bounds = array<i64: 2048, 1024>}, {transform_indices = @transform_1, window_bounds = array<i64: 1024, 512>}, {transform_indices = @transform_2, window_bounds = array<i64: 8, 512>}, {transform_indices = @transform_3, window_bounds = array<i64: 2048, 512>}]} {
    %get3A = arith.constant 0 : index
    %get3A_0 = arith.constant 0 : index
    %get3A_1 = vector.load %arg1[%get3A, %get3A_0] : memref<2048x1024xbf16, #tpu.memory_space<vmem>>, vector<2048x1024xbf16>
    %get3A_2 = arith.constant 0 : index
    %get3A_3 = arith.constant 0 : index
    %get3A_4 = vector.load %arg2[%get3A_2, %get3A_3] : memref<1024x512xbf16, #tpu.memory_space<vmem>>, vector<1024x512xbf16>
    %dot_general3A = arith.constant dense<0.000000e+00> : vector<2048x512xf32>
    %dot_general3A_5 = tpu.matmul %get3A_1, %get3A_4, %dot_general3A {dimension_numbers = #tpu.dot_dimension_numbers<[1], [0], [0], [1], [0, 0, 1, 1], [], []>, transpose_lhs_hint = false} : vector<2048x1024xbf16>, vector<1024x512xbf16>, vector<2048x512xf32> -> vector<2048x512xf32>
    %get3A_6 = arith.constant 0 : index
    %get3A_7 = arith.constant 0 : index
    %get3A_8 = vector.load %arg3[%get3A_6, %get3A_7] : memref<8x512xf32, #tpu.memory_space<vmem>>, vector<1x512xf32>
    %add3A = vector.broadcast %get3A_8 : vector<1x512xf32> to vector<2048x512xf32>
    %add3A_9 = arith.addf %dot_general3A_5, %add3A : vector<2048x512xf32>
    %convert_element_type3A = arith.truncf %add3A_9 : vector<2048x512xf32> to vector<2048x512xbf16>
    %swap3A = arith.constant 0 : index
    %swap3A_10 = arith.constant 0 : index
    %swap3A_11 = vector.load %arg4[%swap3A, %swap3A_10] : memref<2048x512xbf16, #tpu.memory_space<vmem>>, vector<2048x512xbf16>
    tpu.vector_store %arg4[%swap3A, %swap3A_10], %convert_element_type3A {strides = array<i32>} : memref<2048x512xbf16, #tpu.memory_space<vmem>>, vector<2048x512xbf16>,
    return
  }
  func.func @transform_0(%arg0: i32) -> (i32, i32) {
    %c0_i32 = arith.constant 0 : i32
    %c0_i32_0 = arith.constant 0 : i32
    %c0_i32_1 = arith.constant 0 : i32
    return %c0_i32, %c0_i32_0 : i32, i32
  }
  func.func @transform_1(%arg0: i32) -> (i32, i32) {
    %c0_i32 = arith.constant 0 : i32
    %c0_i32_0 = arith.constant 0 : i32
    return %c0_i32, %arg0 : i32, i32
  }
  func.func @transform_2(%arg0: i32) -> (i32, i32) {
    %c0_i32 = arith.constant 0 : i32
    %c0_i32_0 = arith.constant 0 : i32
    return %c0_i32, %arg0 : i32, i32
  }
  func.func @transform_3(%arg0: i32) -> (i32, i32) {
    %c0_i32 = arith.constant 0 : i32
    %c0_i32_0 = arith.constant 0 : i32
    return %c0_i32, %arg0 : i32, i32
  }
}

module attributes {stable_mosaic.version = 14 : i64} {
  func.func @body(%arg0: i32, %arg1: i32, %arg2: memref<256x128xbf16, #tpu.memory_space<vmem>>, %arg3: memref<1024x128xbf16, #tpu.memory_space<vmem>>, %arg4: memref<1024x128xbf16, #tpu.memory_space<vmem>>, %arg5: memref<256x128xbf16, #tpu.memory_space<vmem>>) attributes {dimension_semantics = [#tpu.dimension_semantics<arbitrary>, #tpu.dimension_semantics<arbitrary>], iteration_bounds = array<i64: 8, 4>, scalar_prefetch = 0 : i64, scratch_operands = 0 : i64, tpu.core_type = #tpu.core_type<tc>, window_params = [{transform_indices = @transform_0, window_bounds = array<i64: 256, 128>}, {transform_indices = @transform_1, window_bounds = array<i64: 1024, 128>}, {transform_indices = @transform_2, window_bounds = array<i64: 1024, 128>}, {transform_indices = @transform_3, window_bounds = array<i64: 256, 128>}]} {
    %get3A = arith.constant 0 : index
    %get3A_0 = arith.constant 0 : index
    %get3A_1 = vector.load %arg2[%get3A, %get3A_0] : memref<256x128xbf16, #tpu.memory_space<vmem>>, vector<256x128xbf16>
    %get3A_2 = arith.constant 0 : index
    %get3A_3 = arith.constant 0 : index
    %get3A_4 = vector.load %arg3[%get3A_2, %get3A_3] : memref<1024x128xbf16, #tpu.memory_space<vmem>>, vector<1024x128xbf16>
    %get3A_5 = arith.constant 0 : index
    %get3A_6 = arith.constant 0 : index
    %get3A_7 = vector.load %arg4[%get3A_5, %get3A_6] : memref<1024x128xbf16, #tpu.memory_space<vmem>>, vector<1024x128xbf16>
    %mul3A = arith.constant 256 : i32
    %mul3A_8 = arith.muli %arg1, %mul3A : i32
    %add3A = arith.constant 0 : i32
    %add3A_9 = arith.addi %add3A, %mul3A_8 : i32
    %iota3A = tpu.iota {dimensions = array<i32: 0>} : vector<256x1024xi32>
    %add3A_10 = vector.broadcast %add3A_9 : i32 to vector<256x1024xi32>
    %add3A_11 = arith.addi %add3A_10, %iota3A : vector<256x1024xi32>
    %iota3A_12 = tpu.iota {dimensions = array<i32: 1>} : vector<256x1024xi32>
    %le3A = arith.cmpi sle, %iota3A_12, %add3A_11 : vector<256x1024xi32>
    %slice3A = vector.extract_strided_slice %get3A_1 {offsets = [0, 0], sizes = [256, 64], strides = [1, 1]} : vector<256x128xbf16> to vector<256x64xbf16>
    %slice3A_13 = vector.extract_strided_slice %get3A_4 {offsets = [0, 0], sizes = [1024, 64], strides = [1, 1]} : vector<1024x128xbf16> to vector<1024x64xbf16>
    %slice3A_14 = vector.extract_strided_slice %get3A_7 {offsets = [0, 0], sizes = [1024, 64], strides = [1, 1]} : vector<1024x128xbf16> to vector<1024x64xbf16>
    %dot_general3A = arith.constant dense<0.000000e+00> : vector<256x1024xf32>
    %dot_general3A_15 = tpu.matmul %slice3A, %slice3A_13, %dot_general3A {dimension_numbers = #tpu.dot_dimension_numbers<[1], [1], [0], [0], [0, 0, 1, 0], [], []>, transpose_lhs_hint = false} : vector<256x64xbf16>, vector<1024x64xbf16>, vector<256x1024xf32> -> vector<256x1024xf32>
    %mul3A_16 = arith.constant 1.250000e-01 : f32
    %mul3A_17 = vector.broadcast %mul3A_16 : f32 to vector<256x1024xf32>
    %mul3A_18 = arith.mulf %dot_general3A_15, %mul3A_17 : vector<256x1024xf32>
    %jit3A = arith.constant -1.000000e+30 : f32
    %broadcast_in_dim3A = vector.broadcast %jit3A : f32 to vector<256x1024xf32>
    %select_n3A = arith.select %le3A, %mul3A_18, %broadcast_in_dim3A : vector<256x1024xi1>, vector<256x1024xf32>
    %reduce_max3A = arith.constant dense<0xFF800000> : vector<256xf32>
    %reduce_max3A_19 = vector.multi_reduction <maximumf>, %select_n3A, %reduce_max3A [1] : vector<256x1024xf32> to vector<256xf32>
    %broadcast_in_dim3A_20 = vector.shape_cast %reduce_max3A_19 : vector<256xf32> to vector<256x1xf32>
    %sub3A = vector.broadcast %broadcast_in_dim3A_20 : vector<256x1xf32> to vector<256x1024xf32>
    %sub3A_21 = arith.subf %select_n3A, %sub3A : vector<256x1024xf32>
    %exp3A = math.exp %sub3A_21 : vector<256x1024xf32>
    %reduce_sum3A = arith.constant dense<0.000000e+00> : vector<256xf32>
    %reduce_sum3A_22 = vector.multi_reduction <add>, %exp3A, %reduce_sum3A [1] : vector<256x1024xf32> to vector<256xf32>
    %broadcast_in_dim3A_23 = vector.shape_cast %reduce_sum3A_22 : vector<256xf32> to vector<256x1xf32>
    %convert_element_type3A = arith.truncf %exp3A : vector<256x1024xf32> to vector<256x1024xbf16>
    %dot_general3A_24 = arith.constant dense<0.000000e+00> : vector<256x64xf32>
    %dot_general3A_25 = tpu.matmul %convert_element_type3A, %slice3A_14, %dot_general3A_24 {dimension_numbers = #tpu.dot_dimension_numbers<[1], [0], [0], [1], [0, 0, 1, 1], [], []>, transpose_lhs_hint = false} : vector<256x1024xbf16>, vector<1024x64xbf16>, vector<256x64xf32> -> vector<256x64xf32>
    %div3A = arith.constant 1.000000e+00 : f32
    %div3A_26 = vector.broadcast %div3A : f32 to vector<256x1xf32>
    %div3A_27 = arith.divf %div3A_26, %broadcast_in_dim3A_23 : vector<256x1xf32>
    %mul3A_28 = vector.broadcast %div3A_27 : vector<256x1xf32> to vector<256x64xf32>
    %mul3A_29 = arith.mulf %dot_general3A_25, %mul3A_28 : vector<256x64xf32>
    %convert_element_type3A_30 = arith.truncf %mul3A_29 : vector<256x64xf32> to vector<256x64xbf16>
    %swap3A = arith.constant 0 : index
    %swap3A_31 = arith.constant 0 : index
    %swap3A_32 = vector.load %arg5[%swap3A, %swap3A_31] : memref<256x128xbf16, #tpu.memory_space<vmem>>, vector<256x64xbf16>
    tpu.vector_store %arg5[%swap3A, %swap3A_31], %convert_element_type3A_30 {strides = array<i32>} : memref<256x128xbf16, #tpu.memory_space<vmem>>, vector<256x64xbf16>,
    %slice3A_33 = vector.extract_strided_slice %get3A_1 {offsets = [0, 64], sizes = [256, 64], strides = [1, 1]} : vector<256x128xbf16> to vector<256x64xbf16>
    %slice3A_34 = vector.extract_strided_slice %get3A_4 {offsets = [0, 64], sizes = [1024, 64], strides = [1, 1]} : vector<1024x128xbf16> to vector<1024x64xbf16>
    %slice3A_35 = vector.extract_strided_slice %get3A_7 {offsets = [0, 64], sizes = [1024, 64], strides = [1, 1]} : vector<1024x128xbf16> to vector<1024x64xbf16>
    %dot_general3A_36 = arith.constant dense<0.000000e+00> : vector<256x1024xf32>
    %dot_general3A_37 = tpu.matmul %slice3A_33, %slice3A_34, %dot_general3A_36 {dimension_numbers = #tpu.dot_dimension_numbers<[1], [1], [0], [0], [0, 0, 1, 0], [], []>, transpose_lhs_hint = false} : vector<256x64xbf16>, vector<1024x64xbf16>, vector<256x1024xf32> -> vector<256x1024xf32>
    %mul3A_38 = arith.constant 1.250000e-01 : f32
    %mul3A_39 = vector.broadcast %mul3A_38 : f32 to vector<256x1024xf32>
    %mul3A_40 = arith.mulf %dot_general3A_37, %mul3A_39 : vector<256x1024xf32>
    %jit3A_41 = arith.constant -1.000000e+30 : f32
    %broadcast_in_dim3A_42 = vector.broadcast %jit3A_41 : f32 to vector<256x1024xf32>
    %select_n3A_43 = arith.select %le3A, %mul3A_40, %broadcast_in_dim3A_42 : vector<256x1024xi1>, vector<256x1024xf32>
    %reduce_max3A_44 = arith.constant dense<0xFF800000> : vector<256xf32>
    %reduce_max3A_45 = vector.multi_reduction <maximumf>, %select_n3A_43, %reduce_max3A_44 [1] : vector<256x1024xf32> to vector<256xf32>
    %broadcast_in_dim3A_46 = vector.shape_cast %reduce_max3A_45 : vector<256xf32> to vector<256x1xf32>
    %sub3A_47 = vector.broadcast %broadcast_in_dim3A_46 : vector<256x1xf32> to vector<256x1024xf32>
    %sub3A_48 = arith.subf %select_n3A_43, %sub3A_47 : vector<256x1024xf32>
    %exp3A_49 = math.exp %sub3A_48 : vector<256x1024xf32>
    %reduce_sum3A_50 = arith.constant dense<0.000000e+00> : vector<256xf32>
    %reduce_sum3A_51 = vector.multi_reduction <add>, %exp3A_49, %reduce_sum3A_50 [1] : vector<256x1024xf32> to vector<256xf32>
    %broadcast_in_dim3A_52 = vector.shape_cast %reduce_sum3A_51 : vector<256xf32> to vector<256x1xf32>
    %convert_element_type3A_53 = arith.truncf %exp3A_49 : vector<256x1024xf32> to vector<256x1024xbf16>
    %dot_general3A_54 = arith.constant dense<0.000000e+00> : vector<256x64xf32>
    %dot_general3A_55 = tpu.matmul %convert_element_type3A_53, %slice3A_35, %dot_general3A_54 {dimension_numbers = #tpu.dot_dimension_numbers<[1], [0], [0], [1], [0, 0, 1, 1], [], []>, transpose_lhs_hint = false} : vector<256x1024xbf16>, vector<1024x64xbf16>, vector<256x64xf32> -> vector<256x64xf32>
    %div3A_56 = arith.constant 1.000000e+00 : f32
    %div3A_57 = vector.broadcast %div3A_56 : f32 to vector<256x1xf32>
    %div3A_58 = arith.divf %div3A_57, %broadcast_in_dim3A_52 : vector<256x1xf32>
    %mul3A_59 = vector.broadcast %div3A_58 : vector<256x1xf32> to vector<256x64xf32>
    %mul3A_60 = arith.mulf %dot_general3A_55, %mul3A_59 : vector<256x64xf32>
    %convert_element_type3A_61 = arith.truncf %mul3A_60 : vector<256x64xf32> to vector<256x64xbf16>
    %swap3A_62 = arith.constant 0 : index
    %swap3A_63 = arith.constant 64 : index
    %swap3A_64 = vector.load %arg5[%swap3A_62, %swap3A_63] : memref<256x128xbf16, #tpu.memory_space<vmem>>, vector<256x64xbf16>
    tpu.vector_store %arg5[%swap3A_62, %swap3A_63], %convert_element_type3A_61 {strides = array<i32>} : memref<256x128xbf16, #tpu.memory_space<vmem>>, vector<256x64xbf16>,
    return
  }
  func.func @transform_0(%arg0: i32, %arg1: i32) -> (i32, i32) {
    %add3A = arith.constant 0 : i32
    %add3A_0 = arith.addi %arg1, %add3A : i32
    %c0_i32 = arith.constant 0 : i32
    return %add3A_0, %arg0 : i32, i32
  }
  func.func @transform_1(%arg0: i32, %arg1: i32) -> (i32, i32) {
    %add3A = arith.constant 8 : i32
    %add3A_0 = arith.addi %add3A, %arg0 : i32
    %c0_i32 = arith.constant 0 : i32
    %c0_i32_1 = arith.constant 0 : i32
    return %c0_i32, %add3A_0 : i32, i32
  }
  func.func @transform_2(%arg0: i32, %arg1: i32) -> (i32, i32) {
    %add3A = arith.constant 16 : i32
    %add3A_0 = arith.addi %add3A, %arg0 : i32
    %c0_i32 = arith.constant 0 : i32
    %c0_i32_1 = arith.constant 0 : i32
    return %c0_i32, %add3A_0 : i32, i32
  }
  func.func @transform_3(%arg0: i32, %arg1: i32) -> (i32, i32) {
    %c0_i32 = arith.constant 0 : i32
    return %arg1, %arg0 : i32, i32
  }
}

module attributes {stable_mosaic.version = 14 : i64} {
  func.func @body(%arg0: i32, %arg1: i32, %arg2: memref<256x128xbf16, #tpu.memory_space<vmem>>, %arg3: memref<2048x128xbf16, #tpu.memory_space<vmem>>, %arg4: memref<2048x128xbf16, #tpu.memory_space<vmem>>, %arg5: memref<256x128xbf16, #tpu.memory_space<vmem>>) attributes {dimension_semantics = [#tpu.dimension_semantics<arbitrary>, #tpu.dimension_semantics<arbitrary>], iteration_bounds = array<i64: 8, 4>, scalar_prefetch = 0 : i64, scratch_operands = 0 : i64, tpu.core_type = #tpu.core_type<tc>, window_params = [{transform_indices = @transform_0, window_bounds = array<i64: 256, 128>}, {transform_indices = @transform_1, window_bounds = array<i64: 2048, 128>}, {transform_indices = @transform_2, window_bounds = array<i64: 2048, 128>}, {transform_indices = @transform_3, window_bounds = array<i64: 256, 128>}]} {
    %get3A = arith.constant 0 : index
    %get3A_0 = arith.constant 0 : index
    %get3A_1 = vector.load %arg2[%get3A, %get3A_0] : memref<256x128xbf16, #tpu.memory_space<vmem>>, vector<256x128xbf16>
    %get3A_2 = arith.constant 0 : index
    %get3A_3 = arith.constant 0 : index
    %get3A_4 = vector.load %arg3[%get3A_2, %get3A_3] : memref<2048x128xbf16, #tpu.memory_space<vmem>>, vector<2048x128xbf16>
    %get3A_5 = arith.constant 0 : index
    %get3A_6 = arith.constant 0 : index
    %get3A_7 = vector.load %arg4[%get3A_5, %get3A_6] : memref<2048x128xbf16, #tpu.memory_space<vmem>>, vector<2048x128xbf16>
    %mul3A = arith.constant 256 : i32
    %mul3A_8 = arith.muli %arg1, %mul3A : i32
    %add3A = arith.constant 1024 : i32
    %add3A_9 = arith.addi %add3A, %mul3A_8 : i32
    %iota3A = tpu.iota {dimensions = array<i32: 0>} : vector<256x2048xi32>
    %add3A_10 = vector.broadcast %add3A_9 : i32 to vector<256x2048xi32>
    %add3A_11 = arith.addi %add3A_10, %iota3A : vector<256x2048xi32>
    %iota3A_12 = tpu.iota {dimensions = array<i32: 1>} : vector<256x2048xi32>
    %le3A = arith.cmpi sle, %iota3A_12, %add3A_11 : vector<256x2048xi32>
    %slice3A = vector.extract_strided_slice %get3A_1 {offsets = [0, 0], sizes = [256, 64], strides = [1, 1]} : vector<256x128xbf16> to vector<256x64xbf16>
    %slice3A_13 = vector.extract_strided_slice %get3A_4 {offsets = [0, 0], sizes = [2048, 64], strides = [1, 1]} : vector<2048x128xbf16> to vector<2048x64xbf16>
    %slice3A_14 = vector.extract_strided_slice %get3A_7 {offsets = [0, 0], sizes = [2048, 64], strides = [1, 1]} : vector<2048x128xbf16> to vector<2048x64xbf16>
    %dot_general3A = arith.constant dense<0.000000e+00> : vector<256x2048xf32>
    %dot_general3A_15 = tpu.matmul %slice3A, %slice3A_13, %dot_general3A {dimension_numbers = #tpu.dot_dimension_numbers<[1], [1], [0], [0], [0, 0, 1, 0], [], []>, transpose_lhs_hint = false} : vector<256x64xbf16>, vector<2048x64xbf16>, vector<256x2048xf32> -> vector<256x2048xf32>
    %mul3A_16 = arith.constant 1.250000e-01 : f32
    %mul3A_17 = vector.broadcast %mul3A_16 : f32 to vector<256x2048xf32>
    %mul3A_18 = arith.mulf %dot_general3A_15, %mul3A_17 : vector<256x2048xf32>
    %jit3A = arith.constant -1.000000e+30 : f32
    %broadcast_in_dim3A = vector.broadcast %jit3A : f32 to vector<256x2048xf32>
    %select_n3A = arith.select %le3A, %mul3A_18, %broadcast_in_dim3A : vector<256x2048xi1>, vector<256x2048xf32>
    %reduce_max3A = arith.constant dense<0xFF800000> : vector<256xf32>
    %reduce_max3A_19 = vector.multi_reduction <maximumf>, %select_n3A, %reduce_max3A [1] : vector<256x2048xf32> to vector<256xf32>
    %broadcast_in_dim3A_20 = vector.shape_cast %reduce_max3A_19 : vector<256xf32> to vector<256x1xf32>
    %sub3A = vector.broadcast %broadcast_in_dim3A_20 : vector<256x1xf32> to vector<256x2048xf32>
    %sub3A_21 = arith.subf %select_n3A, %sub3A : vector<256x2048xf32>
    %exp3A = math.exp %sub3A_21 : vector<256x2048xf32>
    %reduce_sum3A = arith.constant dense<0.000000e+00> : vector<256xf32>
    %reduce_sum3A_22 = vector.multi_reduction <add>, %exp3A, %reduce_sum3A [1] : vector<256x2048xf32> to vector<256xf32>
    %broadcast_in_dim3A_23 = vector.shape_cast %reduce_sum3A_22 : vector<256xf32> to vector<256x1xf32>
    %convert_element_type3A = arith.truncf %exp3A : vector<256x2048xf32> to vector<256x2048xbf16>
    %dot_general3A_24 = arith.constant dense<0.000000e+00> : vector<256x64xf32>
    %dot_general3A_25 = tpu.matmul %convert_element_type3A, %slice3A_14, %dot_general3A_24 {dimension_numbers = #tpu.dot_dimension_numbers<[1], [0], [0], [1], [0, 0, 1, 1], [], []>, transpose_lhs_hint = false} : vector<256x2048xbf16>, vector<2048x64xbf16>, vector<256x64xf32> -> vector<256x64xf32>
    %div3A = arith.constant 1.000000e+00 : f32
    %div3A_26 = vector.broadcast %div3A : f32 to vector<256x1xf32>
    %div3A_27 = arith.divf %div3A_26, %broadcast_in_dim3A_23 : vector<256x1xf32>
    %mul3A_28 = vector.broadcast %div3A_27 : vector<256x1xf32> to vector<256x64xf32>
    %mul3A_29 = arith.mulf %dot_general3A_25, %mul3A_28 : vector<256x64xf32>
    %convert_element_type3A_30 = arith.truncf %mul3A_29 : vector<256x64xf32> to vector<256x64xbf16>
    %swap3A = arith.constant 0 : index
    %swap3A_31 = arith.constant 0 : index
    %swap3A_32 = vector.load %arg5[%swap3A, %swap3A_31] : memref<256x128xbf16, #tpu.memory_space<vmem>>, vector<256x64xbf16>
    tpu.vector_store %arg5[%swap3A, %swap3A_31], %convert_element_type3A_30 {strides = array<i32>} : memref<256x128xbf16, #tpu.memory_space<vmem>>, vector<256x64xbf16>,
    %slice3A_33 = vector.extract_strided_slice %get3A_1 {offsets = [0, 64], sizes = [256, 64], strides = [1, 1]} : vector<256x128xbf16> to vector<256x64xbf16>
    %slice3A_34 = vector.extract_strided_slice %get3A_4 {offsets = [0, 64], sizes = [2048, 64], strides = [1, 1]} : vector<2048x128xbf16> to vector<2048x64xbf16>
    %slice3A_35 = vector.extract_strided_slice %get3A_7 {offsets = [0, 64], sizes = [2048, 64], strides = [1, 1]} : vector<2048x128xbf16> to vector<2048x64xbf16>
    %dot_general3A_36 = arith.constant dense<0.000000e+00> : vector<256x2048xf32>
    %dot_general3A_37 = tpu.matmul %slice3A_33, %slice3A_34, %dot_general3A_36 {dimension_numbers = #tpu.dot_dimension_numbers<[1], [1], [0], [0], [0, 0, 1, 0], [], []>, transpose_lhs_hint = false} : vector<256x64xbf16>, vector<2048x64xbf16>, vector<256x2048xf32> -> vector<256x2048xf32>
    %mul3A_38 = arith.constant 1.250000e-01 : f32
    %mul3A_39 = vector.broadcast %mul3A_38 : f32 to vector<256x2048xf32>
    %mul3A_40 = arith.mulf %dot_general3A_37, %mul3A_39 : vector<256x2048xf32>
    %jit3A_41 = arith.constant -1.000000e+30 : f32
    %broadcast_in_dim3A_42 = vector.broadcast %jit3A_41 : f32 to vector<256x2048xf32>
    %select_n3A_43 = arith.select %le3A, %mul3A_40, %broadcast_in_dim3A_42 : vector<256x2048xi1>, vector<256x2048xf32>
    %reduce_max3A_44 = arith.constant dense<0xFF800000> : vector<256xf32>
    %reduce_max3A_45 = vector.multi_reduction <maximumf>, %select_n3A_43, %reduce_max3A_44 [1] : vector<256x2048xf32> to vector<256xf32>
    %broadcast_in_dim3A_46 = vector.shape_cast %reduce_max3A_45 : vector<256xf32> to vector<256x1xf32>
    %sub3A_47 = vector.broadcast %broadcast_in_dim3A_46 : vector<256x1xf32> to vector<256x2048xf32>
    %sub3A_48 = arith.subf %select_n3A_43, %sub3A_47 : vector<256x2048xf32>
    %exp3A_49 = math.exp %sub3A_48 : vector<256x2048xf32>
    %reduce_sum3A_50 = arith.constant dense<0.000000e+00> : vector<256xf32>
    %reduce_sum3A_51 = vector.multi_reduction <add>, %exp3A_49, %reduce_sum3A_50 [1] : vector<256x2048xf32> to vector<256xf32>
    %broadcast_in_dim3A_52 = vector.shape_cast %reduce_sum3A_51 : vector<256xf32> to vector<256x1xf32>
    %convert_element_type3A_53 = arith.truncf %exp3A_49 : vector<256x2048xf32> to vector<256x2048xbf16>
    %dot_general3A_54 = arith.constant dense<0.000000e+00> : vector<256x64xf32>
    %dot_general3A_55 = tpu.matmul %convert_element_type3A_53, %slice3A_35, %dot_general3A_54 {dimension_numbers = #tpu.dot_dimension_numbers<[1], [0], [0], [1], [0, 0, 1, 1], [], []>, transpose_lhs_hint = false} : vector<256x2048xbf16>, vector<2048x64xbf16>, vector<256x64xf32> -> vector<256x64xf32>
    %div3A_56 = arith.constant 1.000000e+00 : f32
    %div3A_57 = vector.broadcast %div3A_56 : f32 to vector<256x1xf32>
    %div3A_58 = arith.divf %div3A_57, %broadcast_in_dim3A_52 : vector<256x1xf32>
    %mul3A_59 = vector.broadcast %div3A_58 : vector<256x1xf32> to vector<256x64xf32>
    %mul3A_60 = arith.mulf %dot_general3A_55, %mul3A_59 : vector<256x64xf32>
    %convert_element_type3A_61 = arith.truncf %mul3A_60 : vector<256x64xf32> to vector<256x64xbf16>
    %swap3A_62 = arith.constant 0 : index
    %swap3A_63 = arith.constant 64 : index
    %swap3A_64 = vector.load %arg5[%swap3A_62, %swap3A_63] : memref<256x128xbf16, #tpu.memory_space<vmem>>, vector<256x64xbf16>
    tpu.vector_store %arg5[%swap3A_62, %swap3A_63], %convert_element_type3A_61 {strides = array<i32>} : memref<256x128xbf16, #tpu.memory_space<vmem>>, vector<256x64xbf16>,
    return
  }
  func.func @transform_0(%arg0: i32, %arg1: i32) -> (i32, i32) {
    %add3A = arith.constant 4 : i32
    %add3A_0 = arith.addi %arg1, %add3A : i32
    %c0_i32 = arith.constant 0 : i32
    return %add3A_0, %arg0 : i32, i32
  }
  func.func @transform_1(%arg0: i32, %arg1: i32) -> (i32, i32) {
    %add3A = arith.constant 8 : i32
    %add3A_0 = arith.addi %add3A, %arg0 : i32
    %c0_i32 = arith.constant 0 : i32
    %c0_i32_1 = arith.constant 0 : i32
    return %c0_i32, %add3A_0 : i32, i32
  }
  func.func @transform_2(%arg0: i32, %arg1: i32) -> (i32, i32) {
    %add3A = arith.constant 16 : i32
    %add3A_0 = arith.addi %add3A, %arg0 : i32
    %c0_i32 = arith.constant 0 : i32
    %c0_i32_1 = arith.constant 0 : i32
    return %c0_i32, %add3A_0 : i32, i32
  }
  func.func @transform_3(%arg0: i32, %arg1: i32) -> (i32, i32) {
    %c0_i32 = arith.constant 0 : i32
    return %arg1, %arg0 : i32, i32
  }
}

module attributes {stable_mosaic.version = 14 : i64} {
  func.func @_proj_body(%arg0: i32, %arg1: i32, %arg2: memref<256x1024xbf16, #tpu.memory_space<vmem>>, %arg3: memref<1024x512xbf16, #tpu.memory_space<vmem>>, %arg4: memref<8x512xf32, #tpu.memory_space<vmem>>, %arg5: memref<256x512xf32, #tpu.memory_space<vmem>>, %arg6: memref<256x512xf32, #tpu.memory_space<vmem>>) attributes {dimension_semantics = [#tpu.dimension_semantics<arbitrary>, #tpu.dimension_semantics<arbitrary>], iteration_bounds = array<i64: 2, 8>, scalar_prefetch = 0 : i64, scratch_operands = 0 : i64, tpu.core_type = #tpu.core_type<tc>, window_params = [{transform_indices = @transform_0, window_bounds = array<i64: 256, 1024>}, {transform_indices = @transform_1, window_bounds = array<i64: 1024, 512>}, {transform_indices = @transform_2, window_bounds = array<i64: 8, 512>}, {transform_indices = @transform_3, window_bounds = array<i64: 256, 512>}, {transform_indices = @transform_4, window_bounds = array<i64: 256, 512>}]} {
    %get3A = arith.constant 0 : index
    %get3A_0 = arith.constant 0 : index
    %get3A_1 = vector.load %arg5[%get3A, %get3A_0] : memref<256x512xf32, #tpu.memory_space<vmem>>, vector<256x512xf32>
    %get3A_2 = arith.constant 0 : index
    %get3A_3 = arith.constant 0 : index
    %get3A_4 = vector.load %arg4[%get3A_2, %get3A_3] : memref<8x512xf32, #tpu.memory_space<vmem>>, vector<1x512xf32>
    %add3A = vector.broadcast %get3A_4 : vector<1x512xf32> to vector<256x512xf32>
    %add3A_5 = arith.addf %get3A_1, %add3A : vector<256x512xf32>
    %get3A_6 = arith.constant 0 : index
    %get3A_7 = arith.constant 0 : index
    %get3A_8 = vector.load %arg2[%get3A_6, %get3A_7] : memref<256x1024xbf16, #tpu.memory_space<vmem>>, vector<256x1024xbf16>
    %get3A_9 = arith.constant 0 : index
    %get3A_10 = arith.constant 0 : index
    %get3A_11 = vector.load %arg3[%get3A_9, %get3A_10] : memref<1024x512xbf16, #tpu.memory_space<vmem>>, vector<1024x512xbf16>
    %dot_general3A = arith.constant dense<0.000000e+00> : vector<256x512xf32>
    %dot_general3A_12 = tpu.matmul %get3A_8, %get3A_11, %dot_general3A {dimension_numbers = #tpu.dot_dimension_numbers<[1], [0], [0], [1], [0, 0, 1, 1], [], []>, transpose_lhs_hint = false} : vector<256x1024xbf16>, vector<1024x512xbf16>, vector<256x512xf32> -> vector<256x512xf32>
    %add3A_13 = arith.addf %add3A_5, %dot_general3A_12 : vector<256x512xf32>
    %swap3A = arith.constant 0 : index
    %swap3A_14 = arith.constant 0 : index
    %swap3A_15 = vector.load %arg6[%swap3A, %swap3A_14] : memref<256x512xf32, #tpu.memory_space<vmem>>, vector<256x512xf32>
    tpu.vector_store %arg6[%swap3A, %swap3A_14], %add3A_13 {strides = array<i32>} : memref<256x512xf32, #tpu.memory_space<vmem>>, vector<256x512xf32>,
    return
  }
  func.func @transform_0(%arg0: i32, %arg1: i32) -> (i32, i32) {
    %c0_i32 = arith.constant 0 : i32
    %c0_i32_0 = arith.constant 0 : i32
    return %arg1, %c0_i32 : i32, i32
  }
  func.func @transform_1(%arg0: i32, %arg1: i32) -> (i32, i32) {
    %c0_i32 = arith.constant 0 : i32
    %c0_i32_0 = arith.constant 0 : i32
    return %c0_i32, %arg0 : i32, i32
  }
  func.func @transform_2(%arg0: i32, %arg1: i32) -> (i32, i32) {
    %c0_i32 = arith.constant 0 : i32
    %c0_i32_0 = arith.constant 0 : i32
    return %c0_i32, %arg0 : i32, i32
  }
  func.func @transform_3(%arg0: i32, %arg1: i32) -> (i32, i32) {
    %c0_i32 = arith.constant 0 : i32
    return %arg1, %arg0 : i32, i32
  }
  func.func @transform_4(%arg0: i32, %arg1: i32) -> (i32, i32) {
    %c0_i32 = arith.constant 0 : i32
    return %arg1, %arg0 : i32, i32
  }
}

module attributes {stable_mosaic.version = 14 : i64} {
  func.func @_route_body(%arg0: i32, %arg1: memref<2048x1024xf32, #tpu.memory_space<vmem>>, %arg2: memref<1024x128xf32, #tpu.memory_space<vmem>>, %arg3: memref<8x128xf32, #tpu.memory_space<vmem>>, %arg4: memref<2048x128xf32, #tpu.memory_space<vmem>>, %arg5: memref<2048x128xi32, #tpu.memory_space<vmem>>, %arg6: memref<8x128xi32, #tpu.memory_space<vmem>>) attributes {dimension_semantics = [#tpu.dimension_semantics<arbitrary>], iteration_bounds = array<i64: 1>, scalar_prefetch = 0 : i64, scratch_operands = 0 : i64, tpu.core_type = #tpu.core_type<tc>, window_params = [{pipeline_mode = #tpu.pipeline_mode<synchronous>, transform_indices = @transform_0, window_bounds = array<i64: 2048, 1024>}, {pipeline_mode = #tpu.pipeline_mode<synchronous>, transform_indices = @transform_1, window_bounds = array<i64: 1024, 128>}, {pipeline_mode = #tpu.pipeline_mode<synchronous>, transform_indices = @transform_2, window_bounds = array<i64: 8, 128>}, {pipeline_mode = #tpu.pipeline_mode<synchronous>, transform_indices = @transform_3, window_bounds = array<i64: 2048, 128>}, {pipeline_mode = #tpu.pipeline_mode<synchronous>, transform_indices = @transform_4, window_bounds = array<i64: 2048, 128>}, {pipeline_mode = #tpu.pipeline_mode<synchronous>, transform_indices = @transform_5, window_bounds = array<i64: 8, 128>}]} {
    %get3A = arith.constant 0 : index
    %get3A_0 = arith.constant 0 : index
    %get3A_1 = vector.load %arg1[%get3A, %get3A_0] : memref<2048x1024xf32, #tpu.memory_space<vmem>>, vector<2048x1024xf32>
    %get3A_2 = arith.constant 0 : index
    %get3A_3 = arith.constant 0 : index
    %get3A_4 = vector.load %arg2[%get3A_2, %get3A_3] : memref<1024x128xf32, #tpu.memory_space<vmem>>, vector<1024x128xf32>
    %convert_element_type3A = arith.truncf %get3A_1 : vector<2048x1024xf32> to vector<2048x1024xbf16>
    %convert_element_type3A_5 = arith.truncf %get3A_4 : vector<1024x128xf32> to vector<1024x128xbf16>
    %dot_general3A = arith.constant dense<0.000000e+00> : vector<2048x128xf32>
    %dot_general3A_6 = tpu.matmul %convert_element_type3A, %convert_element_type3A_5, %dot_general3A {dimension_numbers = #tpu.dot_dimension_numbers<[1], [0], [0], [1], [0, 0, 1, 1], [], []>, transpose_lhs_hint = false} : vector<2048x1024xbf16>, vector<1024x128xbf16>, vector<2048x128xf32> -> vector<2048x128xf32>
    %get3A_7 = arith.constant 0 : index
    %get3A_8 = arith.constant 0 : index
    %get3A_9 = vector.load %arg3[%get3A_7, %get3A_8] : memref<8x128xf32, #tpu.memory_space<vmem>>, vector<1x128xf32>
    %add3A = vector.broadcast %get3A_9 : vector<1x128xf32> to vector<2048x128xf32>
    %add3A_10 = arith.addf %dot_general3A_6, %add3A : vector<2048x128xf32>
    %iota3A = tpu.iota {dimensions = array<i32: 1>} : vector<2048x128xi32>
    %lt3A = arith.constant 8 : i32
    %lt3A_11 = vector.broadcast %lt3A : i32 to vector<2048x128xi32>
    %lt3A_12 = arith.cmpi slt, %iota3A, %lt3A_11 : vector<2048x128xi32>
    %jit3A = arith.constant -1.000000e+30 : f32
    %broadcast_in_dim3A = vector.broadcast %jit3A : f32 to vector<2048x128xf32>
    %select_n3A = arith.select %lt3A_12, %add3A_10, %broadcast_in_dim3A : vector<2048x128xi1>, vector<2048x128xf32>
    %reduce_max3A = arith.constant dense<0xFF800000> : vector<2048xf32>
    %reduce_max3A_13 = vector.multi_reduction <maximumf>, %select_n3A, %reduce_max3A [1] : vector<2048x128xf32> to vector<2048xf32>
    %broadcast_in_dim3A_14 = vector.shape_cast %reduce_max3A_13 : vector<2048xf32> to vector<2048x1xf32>
    %sub3A = vector.broadcast %broadcast_in_dim3A_14 : vector<2048x1xf32> to vector<2048x128xf32>
    %sub3A_15 = arith.subf %select_n3A, %sub3A : vector<2048x128xf32>
    %exp3A = math.exp %sub3A_15 : vector<2048x128xf32>
    %reduce_sum3A = arith.constant dense<0.000000e+00> : vector<2048xf32>
    %reduce_sum3A_16 = vector.multi_reduction <add>, %exp3A, %reduce_sum3A [1] : vector<2048x128xf32> to vector<2048xf32>
    %broadcast_in_dim3A_17 = vector.shape_cast %reduce_sum3A_16 : vector<2048xf32> to vector<2048x1xf32>
    %div3A = vector.broadcast %broadcast_in_dim3A_17 : vector<2048x1xf32> to vector<2048x128xf32>
    %div3A_18 = arith.divf %exp3A, %div3A : vector<2048x128xf32>
    %reduce_max3A_19 = arith.constant dense<0xFF800000> : vector<2048xf32>
    %reduce_max3A_20 = vector.multi_reduction <maximumf>, %div3A_18, %reduce_max3A_19 [1] : vector<2048x128xf32> to vector<2048xf32>
    %broadcast_in_dim3A_21 = vector.shape_cast %reduce_max3A_20 : vector<2048xf32> to vector<2048x1xf32>
    %eq3A = vector.broadcast %broadcast_in_dim3A_21 : vector<2048x1xf32> to vector<2048x128xf32>
    %eq3A_22 = arith.cmpf oeq, %div3A_18, %eq3A : vector<2048x128xf32>
    %jit3A_23 = arith.constant 128 : i32
    %broadcast_in_dim3A_24 = vector.broadcast %jit3A_23 : i32 to vector<2048x128xi32>
    %select_n3A_25 = arith.select %eq3A_22, %iota3A, %broadcast_in_dim3A_24 : vector<2048x128xi1>, vector<2048x128xi32>
    %reduce_min3A = arith.constant dense<2147483647> : vector<2048xi32>
    %reduce_min3A_26 = vector.multi_reduction <minsi>, %select_n3A_25, %reduce_min3A [1] : vector<2048x128xi32> to vector<2048xi32>
    %broadcast_in_dim3A_27 = vector.shape_cast %reduce_min3A_26 : vector<2048xi32> to vector<2048x1xi32>
    %eq3A_28 = vector.broadcast %broadcast_in_dim3A_27 : vector<2048x1xi32> to vector<2048x128xi32>
    %eq3A_29 = arith.cmpi eq, %iota3A, %eq3A_28 : vector<2048x128xi32>
    %jit3A_30 = arith.constant -1.000000e+00 : f32
    %broadcast_in_dim3A_31 = vector.broadcast %jit3A_30 : f32 to vector<2048x128xf32>
    %select_n3A_32 = arith.select %eq3A_29, %broadcast_in_dim3A_31, %div3A_18 : vector<2048x128xi1>, vector<2048x128xf32>
    %reduce_max3A_33 = arith.constant dense<0xFF800000> : vector<2048xf32>
    %reduce_max3A_34 = vector.multi_reduction <maximumf>, %select_n3A_32, %reduce_max3A_33 [1] : vector<2048x128xf32> to vector<2048xf32>
    %broadcast_in_dim3A_35 = vector.shape_cast %reduce_max3A_34 : vector<2048xf32> to vector<2048x1xf32>
    %eq3A_36 = vector.broadcast %broadcast_in_dim3A_35 : vector<2048x1xf32> to vector<2048x128xf32>
    %eq3A_37 = arith.cmpf oeq, %select_n3A_32, %eq3A_36 : vector<2048x128xf32>
    %jit3A_38 = arith.constant 128 : i32
    %broadcast_in_dim3A_39 = vector.broadcast %jit3A_38 : i32 to vector<2048x128xi32>
    %select_n3A_40 = arith.select %eq3A_37, %iota3A, %broadcast_in_dim3A_39 : vector<2048x128xi1>, vector<2048x128xi32>
    %reduce_min3A_41 = arith.constant dense<2147483647> : vector<2048xi32>
    %reduce_min3A_42 = vector.multi_reduction <minsi>, %select_n3A_40, %reduce_min3A_41 [1] : vector<2048x128xi32> to vector<2048xi32>
    %broadcast_in_dim3A_43 = vector.shape_cast %reduce_min3A_42 : vector<2048xi32> to vector<2048x1xi32>
    %add3A_44 = arith.addf %broadcast_in_dim3A_21, %broadcast_in_dim3A_35 : vector<2048x1xf32>
    %div3A_45 = arith.divf %broadcast_in_dim3A_21, %add3A_44 : vector<2048x1xf32>
    %div3A_46 = arith.divf %broadcast_in_dim3A_35, %add3A_44 : vector<2048x1xf32>
    %eq3A_47 = vector.broadcast %broadcast_in_dim3A_27 : vector<2048x1xi32> to vector<2048x128xi32>
    %eq3A_48 = arith.cmpi eq, %iota3A, %eq3A_47 : vector<2048x128xi32>
    %eq3A_49 = vector.broadcast %broadcast_in_dim3A_43 : vector<2048x1xi32> to vector<2048x128xi32>
    %eq3A_50 = arith.cmpi eq, %iota3A, %eq3A_49 : vector<2048x128xi32>
    %or3A = arith.ori %eq3A_48, %eq3A_50 : vector<2048x128xi1>
    %convert_element_type3A_51 = arith.extui %or3A : vector<2048x128xi1> to vector<2048x128xi32>
    %broadcast_in_dim3A_52 = arith.constant 0 : i32
    %broadcast_in_dim3A_53 = vector.broadcast %broadcast_in_dim3A_52 : i32 to vector<1x128xi32>
    %slice3A = vector.extract_strided_slice %convert_element_type3A_51 {offsets = [0, 0], sizes = [2047, 128], strides = [1, 1]} : vector<2048x128xi32> to vector<2047x128xi32>
    %concatenate3A = tpu.concatenate %broadcast_in_dim3A_53, %slice3A in 0 : vector<1x128xi32>, vector<2047x128xi32> -> vector<2048x128xi32>
    %add3A_54 = arith.addi %convert_element_type3A_51, %concatenate3A : vector<2048x128xi32>
    %broadcast_in_dim3A_55 = arith.constant 0 : i32
    %broadcast_in_dim3A_56 = vector.broadcast %broadcast_in_dim3A_55 : i32 to vector<2x128xi32>
    %slice3A_57 = vector.extract_strided_slice %add3A_54 {offsets = [0, 0], sizes = [2046, 128], strides = [1, 1]} : vector<2048x128xi32> to vector<2046x128xi32>
    %concatenate3A_58 = tpu.concatenate %broadcast_in_dim3A_56, %slice3A_57 in 0 : vector<2x128xi32>, vector<2046x128xi32> -> vector<2048x128xi32>
    %add3A_59 = arith.addi %add3A_54, %concatenate3A_58 : vector<2048x128xi32>
    %broadcast_in_dim3A_60 = arith.constant 0 : i32
    %broadcast_in_dim3A_61 = vector.broadcast %broadcast_in_dim3A_60 : i32 to vector<4x128xi32>
    %slice3A_62 = vector.extract_strided_slice %add3A_59 {offsets = [0, 0], sizes = [2044, 128], strides = [1, 1]} : vector<2048x128xi32> to vector<2044x128xi32>
    %concatenate3A_63 = tpu.concatenate %broadcast_in_dim3A_61, %slice3A_62 in 0 : vector<4x128xi32>, vector<2044x128xi32> -> vector<2048x128xi32>
    %add3A_64 = arith.addi %add3A_59, %concatenate3A_63 : vector<2048x128xi32>
    %broadcast_in_dim3A_65 = arith.constant 0 : i32
    %broadcast_in_dim3A_66 = vector.broadcast %broadcast_in_dim3A_65 : i32 to vector<8x128xi32>
    %slice3A_67 = vector.extract_strided_slice %add3A_64 {offsets = [0, 0], sizes = [2040, 128], strides = [1, 1]} : vector<2048x128xi32> to vector<2040x128xi32>
    %concatenate3A_68 = tpu.concatenate %broadcast_in_dim3A_66, %slice3A_67 in 0 : vector<8x128xi32>, vector<2040x128xi32> -> vector<2048x128xi32>
    %add3A_69 = arith.addi %add3A_64, %concatenate3A_68 : vector<2048x128xi32>
    %broadcast_in_dim3A_70 = arith.constant 0 : i32
    %broadcast_in_dim3A_71 = vector.broadcast %broadcast_in_dim3A_70 : i32 to vector<16x128xi32>
    %slice3A_72 = vector.extract_strided_slice %add3A_69 {offsets = [0, 0], sizes = [2032, 128], strides = [1, 1]} : vector<2048x128xi32> to vector<2032x128xi32>
    %concatenate3A_73 = tpu.concatenate %broadcast_in_dim3A_71, %slice3A_72 in 0 : vector<16x128xi32>, vector<2032x128xi32> -> vector<2048x128xi32>
    %add3A_74 = arith.addi %add3A_69, %concatenate3A_73 : vector<2048x128xi32>
    %broadcast_in_dim3A_75 = arith.constant 0 : i32
    %broadcast_in_dim3A_76 = vector.broadcast %broadcast_in_dim3A_75 : i32 to vector<32x128xi32>
    %slice3A_77 = vector.extract_strided_slice %add3A_74 {offsets = [0, 0], sizes = [2016, 128], strides = [1, 1]} : vector<2048x128xi32> to vector<2016x128xi32>
    %concatenate3A_78 = tpu.concatenate %broadcast_in_dim3A_76, %slice3A_77 in 0 : vector<32x128xi32>, vector<2016x128xi32> -> vector<2048x128xi32>
    %add3A_79 = arith.addi %add3A_74, %concatenate3A_78 : vector<2048x128xi32>
    %broadcast_in_dim3A_80 = arith.constant 0 : i32
    %broadcast_in_dim3A_81 = vector.broadcast %broadcast_in_dim3A_80 : i32 to vector<64x128xi32>
    %slice3A_82 = vector.extract_strided_slice %add3A_79 {offsets = [0, 0], sizes = [1984, 128], strides = [1, 1]} : vector<2048x128xi32> to vector<1984x128xi32>
    %concatenate3A_83 = tpu.concatenate %broadcast_in_dim3A_81, %slice3A_82 in 0 : vector<64x128xi32>, vector<1984x128xi32> -> vector<2048x128xi32>
    %add3A_84 = arith.addi %add3A_79, %concatenate3A_83 : vector<2048x128xi32>
    %broadcast_in_dim3A_85 = arith.constant 0 : i32
    %broadcast_in_dim3A_86 = vector.broadcast %broadcast_in_dim3A_85 : i32 to vector<128x128xi32>
    %slice3A_87 = vector.extract_strided_slice %add3A_84 {offsets = [0, 0], sizes = [1920, 128], strides = [1, 1]} : vector<2048x128xi32> to vector<1920x128xi32>
    %concatenate3A_88 = tpu.concatenate %broadcast_in_dim3A_86, %slice3A_87 in 0 : vector<128x128xi32>, vector<1920x128xi32> -> vector<2048x128xi32>
    %add3A_89 = arith.addi %add3A_84, %concatenate3A_88 : vector<2048x128xi32>
    %broadcast_in_dim3A_90 = arith.constant 0 : i32
    %broadcast_in_dim3A_91 = vector.broadcast %broadcast_in_dim3A_90 : i32 to vector<256x128xi32>
    %slice3A_92 = vector.extract_strided_slice %add3A_89 {offsets = [0, 0], sizes = [1792, 128], strides = [1, 1]} : vector<2048x128xi32> to vector<1792x128xi32>
    %concatenate3A_93 = tpu.concatenate %broadcast_in_dim3A_91, %slice3A_92 in 0 : vector<256x128xi32>, vector<1792x128xi32> -> vector<2048x128xi32>
    %add3A_94 = arith.addi %add3A_89, %concatenate3A_93 : vector<2048x128xi32>
    %broadcast_in_dim3A_95 = arith.constant 0 : i32
    %broadcast_in_dim3A_96 = vector.broadcast %broadcast_in_dim3A_95 : i32 to vector<512x128xi32>
    %slice3A_97 = vector.extract_strided_slice %add3A_94 {offsets = [0, 0], sizes = [1536, 128], strides = [1, 1]} : vector<2048x128xi32> to vector<1536x128xi32>
    %concatenate3A_98 = tpu.concatenate %broadcast_in_dim3A_96, %slice3A_97 in 0 : vector<512x128xi32>, vector<1536x128xi32> -> vector<2048x128xi32>
    %add3A_99 = arith.addi %add3A_94, %concatenate3A_98 : vector<2048x128xi32>
    %broadcast_in_dim3A_100 = arith.constant 0 : i32
    %broadcast_in_dim3A_101 = vector.broadcast %broadcast_in_dim3A_100 : i32 to vector<1024x128xi32>
    %slice3A_102 = vector.extract_strided_slice %add3A_99 {offsets = [0, 0], sizes = [1024, 128], strides = [1, 1]} : vector<2048x128xi32> to vector<1024x128xi32>
    %concatenate3A_103 = tpu.concatenate %broadcast_in_dim3A_101, %slice3A_102 in 0 : vector<1024x128xi32>, vector<1024x128xi32> -> vector<2048x128xi32>
    %add3A_104 = arith.addi %add3A_99, %concatenate3A_103 : vector<2048x128xi32>
    %sub3A_105 = arith.subi %add3A_104, %convert_element_type3A_51 : vector<2048x128xi32>
    %slice3A_106 = vector.extract_strided_slice %add3A_104 {offsets = [2047, 0], sizes = [1, 128], strides = [1, 1]} : vector<2048x128xi32> to vector<1x128xi32>
    %add3A_107 = arith.constant 127 : i32
    %add3A_108 = vector.broadcast %add3A_107 : i32 to vector<1x128xi32>
    %add3A_109 = arith.addi %slice3A_106, %add3A_108 : vector<1x128xi32>
    %jit3A_110 = arith.constant 128 : i32
    %div3A_111 = vector.broadcast %jit3A_110 : i32 to vector<1x128xi32>
    %div3A_112 = arith.divsi %add3A_109, %div3A_111 : vector<1x128xi32>
    %sign3A = arith.constant 0 : i32
    %sign3A_113 = vector.broadcast %sign3A : i32 to vector<1x128xi32>
    %sign3A_114 = arith.cmpi sgt, %add3A_109, %sign3A_113 : vector<1x128xi32>
    %sign3A_115 = arith.extui %sign3A_114 : vector<1x128xi1> to vector<1x128xi32>
    %sign3A_116 = arith.constant 0 : i32
    %sign3A_117 = vector.broadcast %sign3A_116 : i32 to vector<1x128xi32>
    %sign3A_118 = arith.cmpi slt, %add3A_109, %sign3A_117 : vector<1x128xi32>
    %sign3A_119 = arith.extui %sign3A_118 : vector<1x128xi1> to vector<1x128xi32>
    %sign3A_120 = arith.subi %sign3A_115, %sign3A_119 : vector<1x128xi32>
    %sign3A_121 = arith.constant 0 : i32
    %sign3A_122 = arith.cmpi sgt, %jit3A_110, %sign3A_121 : i32
    %sign3A_123 = arith.extui %sign3A_122 : i1 to i32
    %sign3A_124 = arith.constant 0 : i32
    %sign3A_125 = arith.cmpi slt, %jit3A_110, %sign3A_124 : i32
    %sign3A_126 = arith.extui %sign3A_125 : i1 to i32
    %sign3A_127 = arith.subi %sign3A_123, %sign3A_126 : i32
    %ne3A = vector.broadcast %sign3A_127 : i32 to vector<1x128xi32>
    %ne3A_128 = arith.cmpi ne, %sign3A_120, %ne3A : vector<1x128xi32>
    %rem3A = vector.broadcast %jit3A_110 : i32 to vector<1x128xi32>
    %rem3A_129 = arith.remsi %add3A_109, %rem3A : vector<1x128xi32>
    %ne3A_130 = arith.constant 0 : i32
    %ne3A_131 = vector.broadcast %ne3A_130 : i32 to vector<1x128xi32>
    %ne3A_132 = arith.cmpi ne, %rem3A_129, %ne3A_131 : vector<1x128xi32>
    %and3A = arith.andi %ne3A_128, %ne3A_132 : vector<1x128xi1>
    %sub3A_133 = arith.constant 1 : i32
    %sub3A_134 = vector.broadcast %sub3A_133 : i32 to vector<1x128xi32>
    %sub3A_135 = arith.subi %div3A_112, %sub3A_134 : vector<1x128xi32>
    %select_n3A_136 = arith.select %and3A, %sub3A_135, %div3A_112 : vector<1x128xi1>, vector<1x128xi32>
    %convert_element_type3A_137 = arith.sitofp %select_n3A_136 : vector<1x128xi32> to vector<1x128xf32>
    %broadcast_in_dim3A_138 = vector.shape_cast %convert_element_type3A_137 : vector<1x128xf32> to vector<1x128xf32>
    %broadcast_in_dim3A_139 = vector.broadcast %broadcast_in_dim3A_138 : vector<1x128xf32> to vector<8x128xf32>
    %iota3A_140 = tpu.iota {dimensions = array<i32: 0>} : vector<128x128xi32>
    %iota3A_141 = tpu.iota {dimensions = array<i32: 1>} : vector<128x128xi32>
    %le3A = arith.cmpi sle, %iota3A_140, %iota3A_141 : vector<128x128xi32>
    %convert_element_type3A_142 = arith.extui %le3A : vector<128x128xi1> to vector<128x128xi32>
    %convert_element_type3A_143 = arith.sitofp %convert_element_type3A_142 : vector<128x128xi32> to vector<128x128xf32>
    %dot_general3A_144 = arith.constant dense<0.000000e+00> : vector<8x128xf32>
    %dot_general3A_145 = tpu.matmul %broadcast_in_dim3A_139, %convert_element_type3A_143, %dot_general3A_144 {dimension_numbers = #tpu.dot_dimension_numbers<[1], [0], [0], [1], [0, 0, 1, 1], [], []>, transpose_lhs_hint = false} : vector<8x128xf32>, vector<128x128xf32>, vector<8x128xf32> -> vector<8x128xf32>
    %slice3A_146 = vector.extract_strided_slice %dot_general3A_145 {offsets = [0, 0], sizes = [1, 128], strides = [1, 1]} : vector<8x128xf32> to vector<1x128xf32>
    %convert_element_type3A_147 = arith.fptosi %slice3A_146 : vector<1x128xf32> to vector<1x128xi32>
    %sub3A_148 = arith.subi %convert_element_type3A_147, %select_n3A_136 : vector<1x128xi32>
    %mul3A = arith.constant 128 : i32
    %mul3A_149 = vector.broadcast %mul3A : i32 to vector<1x128xi32>
    %mul3A_150 = arith.muli %sub3A_148, %mul3A_149 : vector<1x128xi32>
    %add3A_151 = vector.broadcast %mul3A_150 : vector<1x128xi32> to vector<2048x128xi32>
    %add3A_152 = arith.addi %add3A_151, %sub3A_105 : vector<2048x128xi32>
    %eq3A_153 = vector.broadcast %broadcast_in_dim3A_27 : vector<2048x1xi32> to vector<2048x128xi32>
    %eq3A_154 = arith.cmpi eq, %iota3A, %eq3A_153 : vector<2048x128xi32>
    %jit3A_155 = arith.constant 0 : i32
    %broadcast_in_dim3A_156 = vector.broadcast %jit3A_155 : i32 to vector<2048x128xi32>
    %select_n3A_157 = arith.select %eq3A_154, %add3A_152, %broadcast_in_dim3A_156 : vector<2048x128xi1>, vector<2048x128xi32>
    %reduce_sum3A_158 = arith.constant dense<0> : vector<2048xi32>
    %reduce_sum3A_159 = vector.multi_reduction <add>, %select_n3A_157, %reduce_sum3A_158 [1] : vector<2048x128xi32> to vector<2048xi32>
    %broadcast_in_dim3A_160 = vector.shape_cast %reduce_sum3A_159 : vector<2048xi32> to vector<2048x1xi32>
    %eq3A_161 = vector.broadcast %broadcast_in_dim3A_43 : vector<2048x1xi32> to vector<2048x128xi32>
    %eq3A_162 = arith.cmpi eq, %iota3A, %eq3A_161 : vector<2048x128xi32>
    %jit3A_163 = arith.constant 0 : i32
    %broadcast_in_dim3A_164 = vector.broadcast %jit3A_163 : i32 to vector<2048x128xi32>
    %select_n3A_165 = arith.select %eq3A_162, %add3A_152, %broadcast_in_dim3A_164 : vector<2048x128xi1>, vector<2048x128xi32>
    %reduce_sum3A_166 = arith.constant dense<0> : vector<2048xi32>
    %reduce_sum3A_167 = vector.multi_reduction <add>, %select_n3A_165, %reduce_sum3A_166 [1] : vector<2048x128xi32> to vector<2048xi32>
    %broadcast_in_dim3A_168 = vector.shape_cast %reduce_sum3A_167 : vector<2048xi32> to vector<2048x1xi32>
    %eq3A_169 = arith.constant 0 : i32
    %eq3A_170 = vector.broadcast %eq3A_169 : i32 to vector<2048x128xi32>
    %eq3A_171 = arith.cmpi eq, %iota3A, %eq3A_170 : vector<2048x128xi32>
    %eq3A_172 = arith.constant 1 : i32
    %eq3A_173 = vector.broadcast %eq3A_172 : i32 to vector<2048x128xi32>
    %eq3A_174 = arith.cmpi eq, %iota3A, %eq3A_173 : vector<2048x128xi32>
    %jit3A_175 = arith.constant 0.000000e+00 : f32
    %broadcast_in_dim3A_176 = vector.shape_cast %div3A_46 : vector<2048x1xf32> to vector<2048x1xf32>
    %broadcast_in_dim3A_177 = vector.broadcast %broadcast_in_dim3A_176 : vector<2048x1xf32> to vector<2048x128xf32>
    %broadcast_in_dim3A_178 = vector.broadcast %jit3A_175 : f32 to vector<2048x128xf32>
    %select_n3A_179 = arith.select %eq3A_174, %broadcast_in_dim3A_177, %broadcast_in_dim3A_178 : vector<2048x128xi1>, vector<2048x128xf32>
    %broadcast_in_dim3A_180 = vector.shape_cast %div3A_45 : vector<2048x1xf32> to vector<2048x1xf32>
    %broadcast_in_dim3A_181 = vector.broadcast %broadcast_in_dim3A_180 : vector<2048x1xf32> to vector<2048x128xf32>
    %select_n3A_182 = arith.select %eq3A_171, %broadcast_in_dim3A_181, %select_n3A_179 : vector<2048x128xi1>, vector<2048x128xf32>
    %swap3A = arith.constant 0 : index
    %swap3A_183 = arith.constant 0 : index
    %swap3A_184 = vector.load %arg4[%swap3A, %swap3A_183] : memref<2048x128xf32, #tpu.memory_space<vmem>>, vector<2048x128xf32>
    tpu.vector_store %arg4[%swap3A, %swap3A_183], %select_n3A_182 {strides = array<i32>} : memref<2048x128xf32, #tpu.memory_space<vmem>>, vector<2048x128xf32>,
    %eq3A_185 = arith.constant 0 : i32
    %eq3A_186 = vector.broadcast %eq3A_185 : i32 to vector<2048x128xi32>
    %eq3A_187 = arith.cmpi eq, %iota3A, %eq3A_186 : vector<2048x128xi32>
    %eq3A_188 = arith.constant 1 : i32
    %eq3A_189 = vector.broadcast %eq3A_188 : i32 to vector<2048x128xi32>
    %eq3A_190 = arith.cmpi eq, %iota3A, %eq3A_189 : vector<2048x128xi32>
    %jit3A_191 = arith.constant 0 : i32
    %broadcast_in_dim3A_192 = vector.shape_cast %broadcast_in_dim3A_168 : vector<2048x1xi32> to vector<2048x1xi32>
    %broadcast_in_dim3A_193 = vector.broadcast %broadcast_in_dim3A_192 : vector<2048x1xi32> to vector<2048x128xi32>
    %broadcast_in_dim3A_194 = vector.broadcast %jit3A_191 : i32 to vector<2048x128xi32>
    %select_n3A_195 = arith.select %eq3A_190, %broadcast_in_dim3A_193, %broadcast_in_dim3A_194 : vector<2048x128xi1>, vector<2048x128xi32>
    %broadcast_in_dim3A_196 = vector.shape_cast %broadcast_in_dim3A_160 : vector<2048x1xi32> to vector<2048x1xi32>
    %broadcast_in_dim3A_197 = vector.broadcast %broadcast_in_dim3A_196 : vector<2048x1xi32> to vector<2048x128xi32>
    %select_n3A_198 = arith.select %eq3A_187, %broadcast_in_dim3A_197, %select_n3A_195 : vector<2048x128xi1>, vector<2048x128xi32>
    %swap3A_199 = arith.constant 0 : index
    %swap3A_200 = arith.constant 0 : index
    %swap3A_201 = vector.load %arg5[%swap3A_199, %swap3A_200] : memref<2048x128xi32, #tpu.memory_space<vmem>>, vector<2048x128xi32>
    tpu.vector_store %arg5[%swap3A_199, %swap3A_200], %select_n3A_198 {strides = array<i32>} : memref<2048x128xi32, #tpu.memory_space<vmem>>, vector<2048x128xi32>,
    %iota3A_202 = tpu.iota {dimensions = array<i32: 0>} : vector<8x128xi32>
    %iota3A_203 = tpu.iota {dimensions = array<i32: 1>} : vector<8x128xi32>
    %eq3A_204 = arith.cmpi eq, %iota3A_202, %iota3A_203 : vector<8x128xi32>
    %broadcast_in_dim3A_205 = vector.shape_cast %convert_element_type3A_147 : vector<1x128xi32> to vector<1x128xi32>
    %broadcast_in_dim3A_206 = vector.broadcast %broadcast_in_dim3A_205 : vector<1x128xi32> to vector<8x128xi32>
    %jit3A_207 = arith.constant 0 : i32
    %broadcast_in_dim3A_208 = vector.broadcast %jit3A_207 : i32 to vector<8x128xi32>
    %select_n3A_209 = arith.select %eq3A_204, %broadcast_in_dim3A_206, %broadcast_in_dim3A_208 : vector<8x128xi1>, vector<8x128xi32>
    %reduce_sum3A_210 = arith.constant dense<0> : vector<8xi32>
    %reduce_sum3A_211 = vector.multi_reduction <add>, %select_n3A_209, %reduce_sum3A_210 [1] : vector<8x128xi32> to vector<8xi32>
    %broadcast_in_dim3A_212 = vector.shape_cast %reduce_sum3A_211 : vector<8xi32> to vector<8x1xi32>
    %iota3A_213 = tpu.iota {dimensions = array<i32: 1>} : vector<8x128xi32>
    %ge3A = vector.broadcast %broadcast_in_dim3A_212 : vector<8x1xi32> to vector<8x128xi32>
    %ge3A_214 = arith.cmpi sge, %iota3A_213, %ge3A : vector<8x128xi32>
    %convert_element_type3A_215 = arith.extui %ge3A_214 : vector<8x128xi1> to vector<8x128xi32>
    %reduce_sum3A_216 = arith.constant dense<0> : vector<128xi32>
    %reduce_sum3A_217 = vector.multi_reduction <add>, %convert_element_type3A_215, %reduce_sum3A_216 [0] : vector<8x128xi32> to vector<128xi32>
    %broadcast_in_dim3A_218 = vector.shape_cast %reduce_sum3A_217 : vector<128xi32> to vector<1x128xi32>
    %min3A = arith.constant 7 : i32
    %min3A_219 = vector.broadcast %min3A : i32 to vector<1x128xi32>
    %min3A_220 = arith.minsi %broadcast_in_dim3A_218, %min3A_219 : vector<1x128xi32>
    %broadcast_in_dim3A_221 = vector.shape_cast %min3A_220 : vector<1x128xi32> to vector<1x128xi32>
    %broadcast_in_dim3A_222 = vector.broadcast %broadcast_in_dim3A_221 : vector<1x128xi32> to vector<8x128xi32>
    %swap3A_223 = arith.constant 0 : index
    %swap3A_224 = arith.constant 0 : index
    %swap3A_225 = vector.load %arg6[%swap3A_223, %swap3A_224] : memref<8x128xi32, #tpu.memory_space<vmem>>, vector<8x128xi32>
    tpu.vector_store %arg6[%swap3A_223, %swap3A_224], %broadcast_in_dim3A_222 {strides = array<i32>} : memref<8x128xi32, #tpu.memory_space<vmem>>, vector<8x128xi32>,
    return
  }
  func.func @transform_0(%arg0: i32) -> (i32, i32) {
    %c0_i32 = arith.constant 0 : i32
    %c0_i32_0 = arith.constant 0 : i32
    %c0_i32_1 = arith.constant 0 : i32
    return %c0_i32, %c0_i32_0 : i32, i32
  }
  func.func @transform_1(%arg0: i32) -> (i32, i32) {
    %c0_i32 = arith.constant 0 : i32
    %c0_i32_0 = arith.constant 0 : i32
    %c0_i32_1 = arith.constant 0 : i32
    return %c0_i32, %c0_i32_0 : i32, i32
  }
  func.func @transform_2(%arg0: i32) -> (i32, i32) {
    %c0_i32 = arith.constant 0 : i32
    %c0_i32_0 = arith.constant 0 : i32
    %c0_i32_1 = arith.constant 0 : i32
    return %c0_i32, %c0_i32_0 : i32, i32
  }
  func.func @transform_3(%arg0: i32) -> (i32, i32) {
    %c0_i32 = arith.constant 0 : i32
    %c0_i32_0 = arith.constant 0 : i32
    %c0_i32_1 = arith.constant 0 : i32
    return %c0_i32, %c0_i32_0 : i32, i32
  }
  func.func @transform_4(%arg0: i32) -> (i32, i32) {
    %c0_i32 = arith.constant 0 : i32
    %c0_i32_0 = arith.constant 0 : i32
    %c0_i32_1 = arith.constant 0 : i32
    return %c0_i32, %c0_i32_0 : i32, i32
  }
  func.func @transform_5(%arg0: i32) -> (i32, i32) {
    %c0_i32 = arith.constant 0 : i32
    %c0_i32_0 = arith.constant 0 : i32
    %c0_i32_1 = arith.constant 0 : i32
    return %c0_i32, %c0_i32_0 : i32, i32
  }
}

module attributes {stable_mosaic.version = 14 : i64} {
  func.func @_gmm1_body(%arg0: i32, %arg1: memref<40xi32, #tpu.memory_space<smem>>, %arg2: memref<128x1024xf32, #tpu.memory_space<vmem>>, %arg3: memref<1x1024x4096xf32, #tpu.memory_space<vmem>>, %arg4: memref<1x1x4096xf32, #tpu.memory_space<vmem>>, %arg5: memref<128x4096xbf16, #tpu.memory_space<vmem>>, %arg6: memref<1024x4096xbf16, #tpu.memory_space<vmem>>) attributes {dimension_semantics = [#tpu.dimension_semantics<arbitrary>], iteration_bounds = array<i64: 40>, scalar_prefetch = 1 : i64, scratch_operands = 1 : i64, tpu.core_type = #tpu.core_type<tc>, window_params = [{transform_indices = @transform_0, window_bounds = array<i64: 128, 1024>}, {transform_indices = @transform_1, window_bounds = array<i64: 1, 1024, 4096>}, {transform_indices = @transform_2, window_bounds = array<i64: 1, 1, 4096>}, {transform_indices = @transform_3, window_bounds = array<i64: 128, 4096>}]} {
    %eq3A = arith.constant 0 : i32
    %eq3A_0 = arith.cmpi eq, %arg0, %eq3A : i32
    %get3A = arith.index_cast %arg0 : i32 to index
    %get3A_1 = memref.load %arg1[%get3A] : memref<40xi32, #tpu.memory_space<smem>>
    %sub3A = arith.constant 1 : i32
    %sub3A_2 = arith.subi %arg0, %sub3A : i32
    %max3A = arith.constant 0 : i32
    %max3A_3 = arith.maxsi %sub3A_2, %max3A : i32
    %get3A_4 = arith.index_cast %max3A_3 : i32 to index
    %get3A_5 = memref.load %arg1[%get3A_4] : memref<40xi32, #tpu.memory_space<smem>>
    %ne3A = arith.cmpi ne, %get3A_1, %get3A_5 : i32
    %or3A = arith.ori %eq3A_0, %ne3A : i1
    %convert_element_type3A = arith.extui %or3A : i1 to i32
    %cond3A = arith.constant 0 : i32
    %cond3A_6 = arith.cmpi ne, %convert_element_type3A, %cond3A : i32
    scf.if %cond3A_6 {
      %get3A_38 = arith.constant 0 : index
      %get3A_39 = arith.constant 0 : index
      %get3A_40 = arith.constant 0 : index
      %get3A_41 = vector.load %arg3[%get3A_38, %get3A_39, %get3A_40] : memref<1x1024x4096xf32, #tpu.memory_space<vmem>>, vector<1x1024x4096xf32>
      %get3A_42 = vector.shape_cast %get3A_41 : vector<1x1024x4096xf32> to vector<1024x4096xf32>
      %convert_element_type3A_43 = arith.truncf %get3A_42 : vector<1024x4096xf32> to vector<1024x4096xbf16>
      %swap3A_44 = arith.constant 0 : index
      %swap3A_45 = arith.constant 0 : index
      %swap3A_46 = vector.load %arg6[%swap3A_44, %swap3A_45] : memref<1024x4096xbf16, #tpu.memory_space<vmem>>, vector<1024x4096xbf16>
      tpu.vector_store %arg6[%swap3A_44, %swap3A_45], %convert_element_type3A_43 {strides = array<i32>} : memref<1024x4096xbf16, #tpu.memory_space<vmem>>, vector<1024x4096xbf16>,
    } else {
    }
    %get3A_7 = arith.constant 0 : index
    %get3A_8 = arith.constant 0 : index
    %get3A_9 = vector.load %arg2[%get3A_7, %get3A_8] : memref<128x1024xf32, #tpu.memory_space<vmem>>, vector<128x1024xf32>
    %convert_element_type3A_10 = arith.truncf %get3A_9 : vector<128x1024xf32> to vector<128x1024xbf16>
    %get3A_11 = arith.constant 0 : index
    %get3A_12 = arith.constant 0 : index
    %get3A_13 = vector.load %arg6[%get3A_11, %get3A_12] : memref<1024x4096xbf16, #tpu.memory_space<vmem>>, vector<1024x4096xbf16>
    %dot_general3A = arith.constant dense<0.000000e+00> : vector<128x4096xf32>
    %dot_general3A_14 = tpu.matmul %convert_element_type3A_10, %get3A_13, %dot_general3A {dimension_numbers = #tpu.dot_dimension_numbers<[1], [0], [0], [1], [0, 0, 1, 1], [], []>, transpose_lhs_hint = false} : vector<128x1024xbf16>, vector<1024x4096xbf16>, vector<128x4096xf32> -> vector<128x4096xf32>
    %get3A_15 = arith.constant 0 : index
    %get3A_16 = arith.constant 0 : index
    %get3A_17 = arith.constant 0 : index
    %get3A_18 = vector.load %arg4[%get3A_15, %get3A_16, %get3A_17] : memref<1x1x4096xf32, #tpu.memory_space<vmem>>, vector<1x1x4096xf32>
    %get3A_19 = vector.shape_cast %get3A_18 : vector<1x1x4096xf32> to vector<1x4096xf32>
    %add3A = vector.broadcast %get3A_19 : vector<1x4096xf32> to vector<128x4096xf32>
    %add3A_20 = arith.addf %dot_general3A_14, %add3A : vector<128x4096xf32>
    %integer_pow3A = arith.mulf %add3A_20, %add3A_20 : vector<128x4096xf32>
    %integer_pow3A_21 = arith.mulf %add3A_20, %integer_pow3A : vector<128x4096xf32>
    %mul3A = arith.constant 4.471500e-02 : f32
    %mul3A_22 = vector.broadcast %mul3A : f32 to vector<128x4096xf32>
    %mul3A_23 = arith.mulf %mul3A_22, %integer_pow3A_21 : vector<128x4096xf32>
    %add3A_24 = arith.addf %add3A_20, %mul3A_23 : vector<128x4096xf32>
    %mul3A_25 = arith.constant 0.797884583 : f32
    %mul3A_26 = vector.broadcast %mul3A_25 : f32 to vector<128x4096xf32>
    %mul3A_27 = arith.mulf %mul3A_26, %add3A_24 : vector<128x4096xf32>
    %tanh3A = math.tanh %mul3A_27 : vector<128x4096xf32>
    %add3A_28 = arith.constant 1.000000e+00 : f32
    %add3A_29 = vector.broadcast %add3A_28 : f32 to vector<128x4096xf32>
    %add3A_30 = arith.addf %add3A_29, %tanh3A : vector<128x4096xf32>
    %mul3A_31 = arith.constant 5.000000e-01 : f32
    %mul3A_32 = vector.broadcast %mul3A_31 : f32 to vector<128x4096xf32>
    %mul3A_33 = arith.mulf %mul3A_32, %add3A_30 : vector<128x4096xf32>
    %mul3A_34 = arith.mulf %add3A_20, %mul3A_33 : vector<128x4096xf32>
    %convert_element_type3A_35 = arith.truncf %mul3A_34 : vector<128x4096xf32> to vector<128x4096xbf16>
    %swap3A = arith.constant 0 : index
    %swap3A_36 = arith.constant 0 : index
    %swap3A_37 = vector.load %arg5[%swap3A, %swap3A_36] : memref<128x4096xbf16, #tpu.memory_space<vmem>>, vector<128x4096xbf16>
    tpu.vector_store %arg5[%swap3A, %swap3A_36], %convert_element_type3A_35 {strides = array<i32>} : memref<128x4096xbf16, #tpu.memory_space<vmem>>, vector<128x4096xbf16>,
    return
  }
  func.func @transform_0(%arg0: i32, %arg1: memref<40xi32, #tpu.memory_space<smem>>) -> (i32, i32) {
    %c0_i32 = arith.constant 0 : i32
    %c0_i32_0 = arith.constant 0 : i32
    return %arg0, %c0_i32 : i32, i32
  }
  func.func @transform_1(%arg0: i32, %arg1: memref<40xi32, #tpu.memory_space<smem>>) -> (i32, i32, i32) {
    %get3A = arith.index_cast %arg0 : i32 to index
    %get3A_0 = memref.load %arg1[%get3A] : memref<40xi32, #tpu.memory_space<smem>>
    %c0_i32 = arith.constant 0 : i32
    %c0_i32_1 = arith.constant 0 : i32
    %c0_i32_2 = arith.constant 0 : i32
    return %get3A_0, %c0_i32, %c0_i32_1 : i32, i32, i32
  }
  func.func @transform_2(%arg0: i32, %arg1: memref<40xi32, #tpu.memory_space<smem>>) -> (i32, i32, i32) {
    %get3A = arith.index_cast %arg0 : i32 to index
    %get3A_0 = memref.load %arg1[%get3A] : memref<40xi32, #tpu.memory_space<smem>>
    %c0_i32 = arith.constant 0 : i32
    %c0_i32_1 = arith.constant 0 : i32
    %c0_i32_2 = arith.constant 0 : i32
    return %get3A_0, %c0_i32, %c0_i32_1 : i32, i32, i32
  }
  func.func @transform_3(%arg0: i32, %arg1: memref<40xi32, #tpu.memory_space<smem>>) -> (i32, i32) {
    %c0_i32 = arith.constant 0 : i32
    %c0_i32_0 = arith.constant 0 : i32
    return %arg0, %c0_i32 : i32, i32
  }
}

module attributes {stable_mosaic.version = 14 : i64} {
  func.func @_gmm2_body(%arg0: i32, %arg1: memref<40xi32, #tpu.memory_space<smem>>, %arg2: memref<128x4096xbf16, #tpu.memory_space<vmem>>, %arg3: memref<1x4096x1024xf32, #tpu.memory_space<vmem>>, %arg4: memref<1x1x1024xf32, #tpu.memory_space<vmem>>, %arg5: memref<128x1024xf32, #tpu.memory_space<vmem>>, %arg6: memref<4096x1024xbf16, #tpu.memory_space<vmem>>) attributes {dimension_semantics = [#tpu.dimension_semantics<arbitrary>], iteration_bounds = array<i64: 40>, scalar_prefetch = 1 : i64, scratch_operands = 1 : i64, tpu.core_type = #tpu.core_type<tc>, window_params = [{transform_indices = @transform_0, window_bounds = array<i64: 128, 4096>}, {transform_indices = @transform_1, window_bounds = array<i64: 1, 4096, 1024>}, {transform_indices = @transform_2, window_bounds = array<i64: 1, 1, 1024>}, {transform_indices = @transform_3, window_bounds = array<i64: 128, 1024>}]} {
    %eq3A = arith.constant 0 : i32
    %eq3A_0 = arith.cmpi eq, %arg0, %eq3A : i32
    %get3A = arith.index_cast %arg0 : i32 to index
    %get3A_1 = memref.load %arg1[%get3A] : memref<40xi32, #tpu.memory_space<smem>>
    %sub3A = arith.constant 1 : i32
    %sub3A_2 = arith.subi %arg0, %sub3A : i32
    %max3A = arith.constant 0 : i32
    %max3A_3 = arith.maxsi %sub3A_2, %max3A : i32
    %get3A_4 = arith.index_cast %max3A_3 : i32 to index
    %get3A_5 = memref.load %arg1[%get3A_4] : memref<40xi32, #tpu.memory_space<smem>>
    %ne3A = arith.cmpi ne, %get3A_1, %get3A_5 : i32
    %or3A = arith.ori %eq3A_0, %ne3A : i1
    %convert_element_type3A = arith.extui %or3A : i1 to i32
    %cond3A = arith.constant 0 : i32
    %cond3A_6 = arith.cmpi ne, %convert_element_type3A, %cond3A : i32
    scf.if %cond3A_6 {
      %get3A_22 = arith.constant 0 : index
      %get3A_23 = arith.constant 0 : index
      %get3A_24 = arith.constant 0 : index
      %get3A_25 = vector.load %arg3[%get3A_22, %get3A_23, %get3A_24] : memref<1x4096x1024xf32, #tpu.memory_space<vmem>>, vector<1x4096x1024xf32>
      %get3A_26 = vector.shape_cast %get3A_25 : vector<1x4096x1024xf32> to vector<4096x1024xf32>
      %convert_element_type3A_27 = arith.truncf %get3A_26 : vector<4096x1024xf32> to vector<4096x1024xbf16>
      %swap3A_28 = arith.constant 0 : index
      %swap3A_29 = arith.constant 0 : index
      %swap3A_30 = vector.load %arg6[%swap3A_28, %swap3A_29] : memref<4096x1024xbf16, #tpu.memory_space<vmem>>, vector<4096x1024xbf16>
      tpu.vector_store %arg6[%swap3A_28, %swap3A_29], %convert_element_type3A_27 {strides = array<i32>} : memref<4096x1024xbf16, #tpu.memory_space<vmem>>, vector<4096x1024xbf16>,
    } else {
    }
    %get3A_7 = arith.constant 0 : index
    %get3A_8 = arith.constant 0 : index
    %get3A_9 = vector.load %arg2[%get3A_7, %get3A_8] : memref<128x4096xbf16, #tpu.memory_space<vmem>>, vector<128x4096xbf16>
    %get3A_10 = arith.constant 0 : index
    %get3A_11 = arith.constant 0 : index
    %get3A_12 = vector.load %arg6[%get3A_10, %get3A_11] : memref<4096x1024xbf16, #tpu.memory_space<vmem>>, vector<4096x1024xbf16>
    %dot_general3A = arith.constant dense<0.000000e+00> : vector<128x1024xf32>
    %dot_general3A_13 = tpu.matmul %get3A_9, %get3A_12, %dot_general3A {dimension_numbers = #tpu.dot_dimension_numbers<[1], [0], [0], [1], [0, 0, 1, 1], [], []>, transpose_lhs_hint = false} : vector<128x4096xbf16>, vector<4096x1024xbf16>, vector<128x1024xf32> -> vector<128x1024xf32>
    %get3A_14 = arith.constant 0 : index
    %get3A_15 = arith.constant 0 : index
    %get3A_16 = arith.constant 0 : index
    %get3A_17 = vector.load %arg4[%get3A_14, %get3A_15, %get3A_16] : memref<1x1x1024xf32, #tpu.memory_space<vmem>>, vector<1x1x1024xf32>
    %get3A_18 = vector.shape_cast %get3A_17 : vector<1x1x1024xf32> to vector<1x1024xf32>
    %add3A = vector.broadcast %get3A_18 : vector<1x1024xf32> to vector<128x1024xf32>
    %add3A_19 = arith.addf %dot_general3A_13, %add3A : vector<128x1024xf32>
    %swap3A = arith.constant 0 : index
    %swap3A_20 = arith.constant 0 : index
    %swap3A_21 = vector.load %arg5[%swap3A, %swap3A_20] : memref<128x1024xf32, #tpu.memory_space<vmem>>, vector<128x1024xf32>
    tpu.vector_store %arg5[%swap3A, %swap3A_20], %add3A_19 {strides = array<i32>} : memref<128x1024xf32, #tpu.memory_space<vmem>>, vector<128x1024xf32>,
    return
  }
  func.func @transform_0(%arg0: i32, %arg1: memref<40xi32, #tpu.memory_space<smem>>) -> (i32, i32) {
    %c0_i32 = arith.constant 0 : i32
    %c0_i32_0 = arith.constant 0 : i32
    return %arg0, %c0_i32 : i32, i32
  }
  func.func @transform_1(%arg0: i32, %arg1: memref<40xi32, #tpu.memory_space<smem>>) -> (i32, i32, i32) {
    %get3A = arith.index_cast %arg0 : i32 to index
    %get3A_0 = memref.load %arg1[%get3A] : memref<40xi32, #tpu.memory_space<smem>>
    %c0_i32 = arith.constant 0 : i32
    %c0_i32_1 = arith.constant 0 : i32
    %c0_i32_2 = arith.constant 0 : i32
    return %get3A_0, %c0_i32, %c0_i32_1 : i32, i32, i32
  }
  func.func @transform_2(%arg0: i32, %arg1: memref<40xi32, #tpu.memory_space<smem>>) -> (i32, i32, i32) {
    %get3A = arith.index_cast %arg0 : i32 to index
    %get3A_0 = memref.load %arg1[%get3A] : memref<40xi32, #tpu.memory_space<smem>>
    %c0_i32 = arith.constant 0 : i32
    %c0_i32_1 = arith.constant 0 : i32
    %c0_i32_2 = arith.constant 0 : i32
    return %get3A_0, %c0_i32, %c0_i32_1 : i32, i32, i32
  }
  func.func @transform_3(%arg0: i32, %arg1: memref<40xi32, #tpu.memory_space<smem>>) -> (i32, i32) {
    %c0_i32 = arith.constant 0 : i32
    %c0_i32_0 = arith.constant 0 : i32
    return %arg0, %c0_i32 : i32, i32
  }
}

module attributes {stable_mosaic.version = 14 : i64} {
  func.func @_fin_body(%arg0: i32, %arg1: memref<128x1024xf32, #tpu.memory_space<vmem>>, %arg2: memref<128x1024xf32, #tpu.memory_space<vmem>>, %arg3: memref<128x1024xf32, #tpu.memory_space<vmem>>, %arg4: memref<128x128xf32, #tpu.memory_space<vmem>>, %arg5: memref<128x1024xf32, #tpu.memory_space<vmem>>) attributes {dimension_semantics = [#tpu.dimension_semantics<arbitrary>], iteration_bounds = array<i64: 16>, scalar_prefetch = 0 : i64, scratch_operands = 0 : i64, tpu.core_type = #tpu.core_type<tc>, window_params = [{transform_indices = @transform_0, window_bounds = array<i64: 128, 1024>}, {transform_indices = @transform_1, window_bounds = array<i64: 128, 1024>}, {transform_indices = @transform_2, window_bounds = array<i64: 128, 1024>}, {transform_indices = @transform_3, window_bounds = array<i64: 128, 128>}, {transform_indices = @transform_4, window_bounds = array<i64: 128, 1024>}]} {
    %get3A = arith.constant 0 : index
    %get3A_0 = arith.constant 0 : index
    %get3A_1 = vector.load %arg1[%get3A, %get3A_0] : memref<128x1024xf32, #tpu.memory_space<vmem>>, vector<128x1024xf32>
    %get3A_2 = arith.constant 0 : index
    %get3A_3 = arith.constant 0 : index
    %get3A_4 = vector.load %arg4[%get3A_2, %get3A_3] : memref<128x128xf32, #tpu.memory_space<vmem>>, vector<128x1xf32>
    %get3A_5 = arith.constant 0 : index
    %get3A_6 = arith.constant 0 : index
    %get3A_7 = vector.load %arg2[%get3A_5, %get3A_6] : memref<128x1024xf32, #tpu.memory_space<vmem>>, vector<128x1024xf32>
    %mul3A = vector.broadcast %get3A_4 : vector<128x1xf32> to vector<128x1024xf32>
    %mul3A_8 = arith.mulf %mul3A, %get3A_7 : vector<128x1024xf32>
    %add3A = arith.addf %get3A_1, %mul3A_8 : vector<128x1024xf32>
    %get3A_9 = arith.constant 0 : index
    %get3A_10 = arith.constant 1 : index
    %get3A_11 = vector.load %arg4[%get3A_9, %get3A_10] : memref<128x128xf32, #tpu.memory_space<vmem>>, vector<128x1xf32>
    %get3A_12 = arith.constant 0 : index
    %get3A_13 = arith.constant 0 : index
    %get3A_14 = vector.load %arg3[%get3A_12, %get3A_13] : memref<128x1024xf32, #tpu.memory_space<vmem>>, vector<128x1024xf32>
    %mul3A_15 = vector.broadcast %get3A_11 : vector<128x1xf32> to vector<128x1024xf32>
    %mul3A_16 = arith.mulf %mul3A_15, %get3A_14 : vector<128x1024xf32>
    %add3A_17 = arith.addf %add3A, %mul3A_16 : vector<128x1024xf32>
    %swap3A = arith.constant 0 : index
    %swap3A_18 = arith.constant 0 : index
    %swap3A_19 = vector.load %arg5[%swap3A, %swap3A_18] : memref<128x1024xf32, #tpu.memory_space<vmem>>, vector<128x1024xf32>
    tpu.vector_store %arg5[%swap3A, %swap3A_18], %add3A_17 {strides = array<i32>} : memref<128x1024xf32, #tpu.memory_space<vmem>>, vector<128x1024xf32>,
    return
  }
  func.func @transform_0(%arg0: i32) -> (i32, i32) {
    %c0_i32 = arith.constant 0 : i32
    %c0_i32_0 = arith.constant 0 : i32
    return %arg0, %c0_i32 : i32, i32
  }
  func.func @transform_1(%arg0: i32) -> (i32, i32) {
    %c0_i32 = arith.constant 0 : i32
    %c0_i32_0 = arith.constant 0 : i32
    return %arg0, %c0_i32 : i32, i32
  }
  func.func @transform_2(%arg0: i32) -> (i32, i32) {
    %add3A = arith.constant 16 : i32
    %add3A_0 = arith.addi %arg0, %add3A : i32
    %c0_i32 = arith.constant 0 : i32
    %c0_i32_1 = arith.constant 0 : i32
    return %add3A_0, %c0_i32 : i32, i32
  }
  func.func @transform_3(%arg0: i32) -> (i32, i32) {
    %c0_i32 = arith.constant 0 : i32
    %c0_i32_0 = arith.constant 0 : i32
    return %arg0, %c0_i32 : i32, i32
  }
  func.func @transform_4(%arg0: i32) -> (i32, i32) {
    %c0_i32 = arith.constant 0 : i32
    %c0_i32_0 = arith.constant 0 : i32
    return %arg0, %c0_i32 : i32, i32
  }
}

</mosaic_0001>

<sc_bundles>
// kernel: kernel.12.cloned.1.call-start
scs
__scs_entry_jumppad:
0x0: {  	(pc) =	sbr.rel $0x88, $3  }
0x1: {  	(tag) =	ssettag $0x0;
	lr =	simm.s32 $0x1  }
0x2: {  	[smem:$0x3F96] =	sst lr;
	_ =	strace $0xD0000000  }
0x3: {  	_ = 	snop  }
0x4: {  	_ = 	snop  }
0x5: {  	_ = 	snop  }
0x6: {  	_ = 	snop  }
0x7: {  	_ = 	snop  }
__scs_overlays_trampoline_lowered:
0x8: {  	[smem:$0x3FA5] =	sst s0  }
0x9: {  	[smem:$0x3FA6] =	sst s1  }
0xa: {  	[smem:$0x3FA7] =	sst s2  }
0xb: {  	[smem:$0x3FA8] =	sst s3  }
0xc: {  	[smem:$0x3FA9] =	sst s4  }
0xd: {  	[smem:$0x3FAA] =	sst s5  }
0xe: {  	[smem:$0x3FAB] =	sst s6  }
0xf: {  	[smem:$0x3FAC] =	sst s7  }
0x10: {  	[smem:$0x3FAD] =	sst s8  }
0x11: {  	[smem:$0x3FAE] =	sst s9;
	s0 =	simm.s32 @!p0 $0x0  }
0x12: {  	s1 =	sld [smem:$0x3F94];
	s0 =	simm.s32 @p0 $0x1  }
0x13: {  	[smem:$0x3FAF] =	sst s0;
	s0 =	simm.s32 @!p1 $0x0  }
0x14: {  	s2 =	sld [smem:$0x3F93];
	s0 =	simm.s32 @p1 $0x1  }
0x15: {  	[smem:$0x3FB0] =	sst s0;
	s0 =	simm.s32 @!p2 $0x0  }
0x16: {  	s3 =	sld [smem:$0x3FDB];
	s0 =	simm.s32 @p2 $0x1  }
0x17: {  	s4 =	simm.s32 $0x1BF5;
	[smem:$0x3FB2] =	sst s0  }
0x18: {  	s0 =	sld [smem:$0x3F95];
	_ =	swait.ge [sflag:s4], $0x0  }
0x19: {  	s7 =	sld [smem:$0x3F96]  }
0x1a: {  	s8 =	sadd.s32 $0xFFFFE003, lr  }
0x1b: {  	s9 =	sadd.s32 $0xFFFFFEF7, lr;
	s5 =	simm.s32 $0xFFFFFFFF;
	p2 =	slt.u32 s8, $0xFFFFF086  }
0x1c: {  	p1 =	slt.u32 s9, $0xF7A;
	s5 =	simm.s32 @!p2 $0x0  }
0x1d: {  	s5 =	simm.s32 @p1 $0x1;
	p0 =	seq.s32 s7, s2  }
0x1e: {  	s7 =	smul.u32 @!p0 $0xF7A, s2;
	p2 =	seq.s32 @!p0 s5, $0x0  }
0x1f: {  	s9 =	smul.u32 $0xF7A, s1;
	s8 =	simm.s32 @!p0 $0x1BF5;
	p2 =	por !p2, p0  }
0x20: {  	[sflag:s8] =	ssyncset.s32 @!p0 $0xFFFFF086;
	s6 =	sadd.s32 @!p0 s3, s7;
	s7 =	simm.s32 @!p0 $0x108  }
0x21: {  	s3 =	sadd.s32 s3, s9;
	s6 =	sadd.s32 @!p0 $0x88, s6;
	s7 =	simm.s32 @p2 $0x1082  }
0x22: {  	[simem:s7], [sflag:s8] =	dma.local @!p0 [hbm:s6], $0xF7A  }
0x23: {  	s9 =	sor.u32 $0xD0000000, s2;
	s6 =	simm.s32 $0x108;
	_ =	swait.ge @!p0 [sflag:s8], $0x0  }
0x24: {  	s3 =	sadd.s32 $0x88, s3;
	s6 =	simm.s32 @!p1 $0x1082;
	[sflag:s4] =	ssyncset.s32 $0xFFFFF086  }
0x25: {  	[simem:s6], [sflag:s4] =	dma.local [hbm:s3], $0xF7A  }
0x26: {  	[smem:$0x3F96] =	sst s1;
	(tag) =	ssettag s2;
	_ =	strace s9  }
0x27: {  	s1 =	sld [smem:$0x3FA6]  }
0x28: {  	s2 =	sld [smem:$0x3FA7]  }
0x29: {  	s4 =	sld [smem:$0x3FA9]  }
0x2a: {  	p0 =	seq.s32 s5, $0x0;
	s5 =	sld [smem:$0x3FAA]  }
0x2b: {  	s6 =	sld [smem:$0x3FAB]  }
0x2c: {  	s7 =	sld [smem:$0x3FAC]  }
0x2d: {  	s3 =	simm.s32 $0x108;
	s8 =	sld [smem:$0x3FAD]  }
0x2e: {  	s3 =	simm.s32 @!p0 $0x1082;
	s9 =	sld [smem:$0x3FAE]  }
0x2f: {  	lr =	sadd.s32 s0, s3;
	s0 =	sld [smem:$0x3FA5]  }
0x30: {  	s3 =	sld [smem:$0x3FA8]  }
0x31: {  	[smem:$0x3FB1] =	sst s10  }
0x32: {  	s10 =	sld [smem:$0x3FAF];
	_ =	sdelay $0x3  }
0x33: {  	p0 =	seq.s32 s10, $0x1;
	s10 =	sld [smem:$0x3FB1];
	_ =	sdelay $0x3  }
0x34: {  	[smem:$0x3FB1] =	sst s10  }
0x35: {  	s10 =	sld [smem:$0x3FB0];
	_ =	sdelay $0x3  }
0x36: {  	p1 =	seq.s32 s10, $0x1;
	s10 =	sld [smem:$0x3FB1];
	_ =	sdelay $0x3  }
0x37: {  	[smem:$0x3FB1] =	sst s10  }
0x38: {  	s10 =	sld [smem:$0x3FB2]  }
0x39: {  	_ = 	snop;
	(pc) =	sbr.ind lr, $3  }
0x3a: {  	_ = 	snop  }
0x3b: {  	_ = 	snop  }
0x3c: {  	p2 =	seq.s32 s10, $0x1;
	s10 =	sld [smem:$0x3FB1]  }
0x3d: {  	_ =	shalt  }
0x3e: {  	_ =	shalt  }
0x3f: {  	_ =	shalt  }
0x40: {  	_ =	shalt  }
0x41: {  	_ =	shalt  }
0x42: {  	_ =	shalt  }
0x43: {  	_ =	shalt  }
0x44: {  	_ =	shalt  }
0x45: {  	_ =	shalt  }
0x46: {  	_ =	shalt  }
0x47: {  	_ =	shalt  }
0x48: {  	_ =	shalt  }
0x49: {  	_ =	shalt  }
0x4a: {  	_ =	shalt  }
0x4b: {  	_ =	shalt  }
0x4c: {  	_ =	shalt  }
0x4d: {  	_ =	shalt  }
0x4e: {  	_ =	shalt  }
0x4f: {  	_ =	shalt  }
0x50: {  	_ =	shalt  }
0x51: {  	_ =	shalt  }
0x52: {  	_ =	shalt  }
0x53: {  	_ =	shalt  }
0x54: {  	_ =	shalt  }
0x55: {  	_ =	shalt  }
0x56: {  	_ =	shalt  }
0x57: {  	_ =	shalt  }
0x58: {  	_ =	shalt  }
0x59: {  	_ =	shalt  }
0x5a: {  	_ =	shalt  }
0x5b: {  	_ =	shalt  }
0x5c: {  	_ =	shalt  }
0x5d: {  	_ =	shalt  }
0x5e: {  	_ =	shalt  }
0x5f: {  	_ =	shalt  }
0x60: {  	_ =	shalt  }
0x61: {  	_ =	shalt  }
0x62: {  	_ =	shalt  }
0x63: {  	_ =	shalt  }
0x64: {  	_ =	shalt  }
0x65: {  	_ =	shalt  }
0x66: {  	_ =	shalt  }
0x67: {  	_ =	shalt  }
0x68: {  	_ =	shalt  }
0x69: {  	_ =	shalt  }
0x6a: {  	_ =	shalt  }
0x6b: {  	_ =	shalt  }
0x6c: {  	_ =	shalt  }
0x6d: {  	_ =	shalt  }
0x6e: {  	_ =	shalt  }
0x6f: {  	_ =	shalt  }
0x70: {  	_ =	shalt  }
0x71: {  	_ =	shalt  }
0x72: {  	_ =	shalt  }
0x73: {  	_ =	shalt  }
0x74: {  	_ =	shalt  }
0x75: {  	_ =	shalt  }
0x76: {  	_ =	shalt  }
0x77: {  	_ =	shalt  }
0x78: {  	_ =	shalt  }
0x79: {  	_ =	shalt  }
0x7a: {  	_ =	shalt  }
0x7b: {  	_ =	shalt  }
0x7c: {  	_ =	shalt  }
0x7d: {  	_ =	shalt  }
0x7e: {  	_ =	shalt  }
0x7f: {  	_ =	shalt  }
0x80: {  	_ =	shalt  }
0x81: {  	_ =	shalt  }
0x82: {  	_ =	shalt  }
0x83: {  	_ =	shalt  }
0x84: {  	_ =	shalt  }
0x85: {  	_ =	shalt  }
0x86: {  	_ =	shalt  }
0x87: {  	_ =	shalt  }
.Lfunc_end0:
.L_simem_size_0:
called_computation_lowered:
.L_overlay_start_0:
0x88: {  	s2 =	sld [smem:$0x3FD9]  }
0x89: {  	s3 =	sld [smem:$0x3FFE];
	_ =	sdelay $0x1  }
0x8a: {  	s1 =	srdreg.scid  }
0x8b: {  	s0 =	sand.u32 $0x1, s1  }
0x8c: {  	s17 =	sshll.u32 s0, $0xA;
	s2 =	sadd.s32 s3, s2  }
0x8d: {  	s2 =	sadd.s32 s2, s17  }
0x8e: {  	[smem:$0x3FBD] =	sst s2  }
0x8f: {  	_ = 	snop  }
0x90: {  	s2 =	sld [smem:$0x3FD0];
	(tm) =	ssettm $0x1  }
0x91: {  	s18 =	sld [smem:$0x3FFB];
	_ =	sdelay $0x3  }
0x92: {  	_ =	strace s18  }
0x93: {  	s3 =	sld [smem:$0x3FFC];
	_ =	sdelay $0x3  }
0x94: {  	_ =	strace s3  }
0x95: {  	s3 =	sld [smem:$0x3FFD];
	_ =	sdelay $0x3  }
0x96: {  	_ =	strace s3  }
0x97: {  	_ =	strace $0x8FFFFFFF  }
0x98: {  	s19 =	sld [smem:$0x3FDB];
	_ =	sdelay $0x1  }
0x99: {  	s4 =	simm.s32 $_scs_section_size  }
0x9a: {  	s5 =	simm.s32 $_size__tile_overlayer_lowered;
	s6 =	simm.s32 $_tile_overlayer_lowered  }
0x9b: {  	s22 =	simm.s32 $0x1BFF;
	s21 =	sshll.u32 s6, $0x1;
	s3 =	sadd.s32 s4, s19  }
0x9c: {  	s7 =	simm.s32 $0x0;
	s20 =	sshll.u32 s5, $0x1;
	s5 =	sadd.s32 s21, s3  }
0x9d: {  	[timem:s7], [sflag:s22] =	dma.local [hbm:s5], s20  }
0x9e: {  	_ =	swait.ge [sflag:s22], s20  }
0x9f: {  	s4 =	ssub.s32 $0x0, s20;
	[sflag:s22] =	ssyncset.done $0x0  }
0xa0: {  	[sflag:s22] =	ssyncadd.s32 s4;
	_ =	sdelay $0x1  }
0xa1: {  	s23 =	simm.s32 $0x1B8B  }
0xa2: {  	_ =	swait.ge [sflag:s23], $0x1  }
0xa3: {  	[sflag:s23] =	ssyncset.done $0x0  }
0xa4: {  	s25 =	simm.s32 $0x1B8E;
	s24 =	sld [smem:$0x3FFE];
	[sflag:s23] =	ssyncadd.s32 $0xFFFFFFFF  }
0xa5: {  	s26 =	simm.s32 $execute0_lowered;
	[smem:$0x3FD2] =	sst s25  }
0xa6: {  	s5 =	sshll.u32 s26, $0x1;
	_ =	strace $0x80000046;
	[dreg:$0x1] =	wrdreg $0xFFFFFFFF  }
0xa7: {  	s28 =	simm.s32 $_size_execute0_lowered;
	s3 =	sadd.s32 s3, s5;
	[dreg:$0x0] =	wrdreg $0x0  }
0xa8: {  	s5 =	sshll.u32 s28, $0x1;
	[dreg:$0x2] =	wrdreg s3  }
0xa9: {  	[dreg:$0x3] =	wrdreg s5  }
0xaa: {  	[dreg:$0x4] =	wrdreg $0xC0  }
0xab: {  	_ =	task [dreg:s7], $0x5FFFF  }
0xac: {  	[dreg:$0x1] =	wrdreg $0xFFFFFFFF  }
0xad: {  	[dreg:$0x0] =	wrdreg $0x60  }
0xae: {  	[dreg:$0x2] =	wrdreg s2  }
0xaf: {  	[dreg:$0x3] =	wrdreg s24  }
0xb0: {  	[dreg:$0x4] =	wrdreg $0x9  }
0xb1: {  	_ =	task.clear_ibuf [dreg:s7], $0x5FFFF;
	_ =	strace $0x90000046  }
0xb2: {  	s29 =	simm.s32 $0x9;
	_ =	strace $0x80000048  }
0xb3: {  	_ =	swait.ge [sflag:s29], $0x1  }
0xb4: {  	[sflag:s29] =	ssyncadd.s32 $0xFFFFFFFF  }
0xb5: {  	_ =	strace $0x90000048  }
0xb6: {  	_ =	sfence  }
0xb7: {  	s30 =	sld [smem:$0x0];
	_ =	sdelay $0x2  }
0xb8: {  	s31 =	sshll.u32 s1, $0xD;
	s1 =	sshrl.u32 s1, $0x2  }
0xb9: {  	s3 =	sand.u32 $0x4000, s31;
	s1 =	sadd.s32 s1, s30  }
0xba: {  	s0 =	sor.u32 s3, s0;
	s1 =	sshll.u32 s1, $0x11  }
0xbb: {  	s0 =	sor.u32 s1, s0  }
0xbc: {  	s0 =	sadd.s32 $0x8F2B, s0  }
0xbd: {  	[sflag:s0] =	ssyncadd.remote.s32 $0x1  }
0xbe: {  	_ =	sfence.sel $0xFFFF  }
0xbf: {  	[dreg:$0x0] =	wrdreg $0xFFFFFFFF;
	(pc) =	sbr.abs _section_cstart, $3  }
0xc0: {  	[dreg:$0x1] =	wrdreg $0xFFFFFFFF  }
0xc1: {  	_ =	task.clear_ibuf [dreg:s7], $0x2FFFF;
	_ =	strace $0x9FFFFFFF  }
0xc2: {  	(tm) =	ssettm $0x7FFFFFFF  }
0xc3: {  	_ =	shalt  }
tec
execute0_lowered:
.L_overlay_start_1:
0x0: {  	(tag) =	ssettag $0x1  }
0x1: {  	s0 =	srdreg.scid  }
0x2: {  	s1 =	rddreg [dreg:$0x0];
	s2 =	stileid.u32  }
0x3: {  	s6 =	rddreg [dreg:$0x1];
	s25 =	simm.s32 $0x10000;
	s26 =	simm.s32 $0x10080  }
0x4: {  	s8 =	simm.s32 $0x3;
	s20 =	simm.s32 $0x1800;
	s21 =	simm.s32 $0x2000  }
0x5: {  	s22 =	simm.s32 $0x2800;
	s28 =	simm.s32 $0x5000;
	s29 =	simm.s32 $0x5800  }
0x6: {  	s30 =	simm.s32 $0x6000;
	s31 =	simm.s32 $0x6800;
	s9 =	simm.s32 $0x8000  }
0x7: {  	s10 =	simm.s32 $0x8800;
	s11 =	simm.s32 $0x9000;
	s12 =	simm.s32 $0x9800  }
0x8: {  	s13 =	simm.s32 $0xA000;
	s14 =	simm.s32 $0xA800;
	s15 =	simm.s32 $0xB000  }
0x9: {  	s16 =	simm.s32 $0xB800;
	s17 =	simm.s32 $0xC000;
	s0 =	sand.u32 $0x1, s0  }
0xa: {  	s3 =	sshll.u32 s2, $0x7;
	s2 =	simm.s32 $0x0;
	s4 =	sshll.u32 s0, $0x6  }
0xb: {  	[smem:$0x7FF] =	sst s2;
	s0 =	ssub.s32 $0x2, s0;
	s3 =	sor.u32 s4, s3  }
0xc: {  	_ =	strace $0x80000047;
	s5 =	sshrl.u32 s0, $0x1;
	[dreg:$0x6] =	wrdreg s25  }
0xd: {  	[dreg:$0x7] =	wrdreg s26;
	s25 =	simm.s32 $0x4000;
	s26 =	simm.s32 $0x4800  }
0xe: {  	s4 =	sshrl.u32 s3, $0x3;
	s3 =	sshll.u32 s3, $0x7;
	s0 =	ssub.s32 s0, s5  }
0xf: {  	s5 =	sadd.s32 $0x1DE00, s6;
	s4 =	sadd.s32 s4, s6;
	s1 =	sadd.s32 s1, s3  }
0x10: {  	s3 =	sadd.s32 $0x1DC00, s6;
	s7 =	smax.u32 s0, $0x1;
	[dreg:$0x3] =	wrdreg s1  }
0x11: {  	v2 =	vlaneseq.u32;
	s23 =	sadd.s32 $0x9E00, s4;
	s24 =	sadd.s32 $0x9C00, s4;
	s4 =	sadd.s32 $0x1DD00, s6  }
0x12: {  	vm0 =	vmmov $0xffff;
	v1 =	vshrl.u32 v2, $0x3;
	s6 =	sadd.s32 $0x1DF00, s6;
	s1 =	simm.s32 $0x7000;
	[dreg:$0x4] =	wrdreg s23  }
0x13: {  	v0 =	vand.u32 $0x7, v2;
	v2 =	vor.u32 $0x8, v2;
	v1 =	vmul.u32 $0x8, v1;
	[dreg:$0x5] =	wrdreg s24;
	s23 =	simm.s32 $0x3000;
	s24 =	simm.s32 $0x3800  }
.LBB2_1:
0x14: {  	s18 =	rddreg [dreg:$0x3]  }
0x15: {  	[tilespmem:s2], [sflag:$0x3] =	stream.linear.gather [hbm4b:s18+s2], $0x10000, $0x38;
	[tilespmem:$0x10100] =	vst v63  }
0x16: {  	_ =	swait.ge [sflag:s8], $0x10000  }
0x17: {  	s0 =	rddreg [dreg:$0x4];
	[sflag:s8] =	ssyncset.done $0x0  }
0x18: {  	s19 =	rddreg [dreg:$0x6];
	[sflag:s8] =	ssyncadd.s32 $0xFFFF0000  }
0x19: {  	[tilespmem:s19], [sflag:$0x3] =	stream.linear.gather [hbm4b:s0+s2], $0x40, $0x38;
	[tilespmem:$0x10100] =	vst v63  }
0x1a: {  	_ =	swait.ge [sflag:s8], $0x40  }
0x1b: {  	s19 =	rddreg [dreg:$0x5];
	[sflag:s8] =	ssyncset.done $0x0  }
0x1c: {  	s0 =	rddreg [dreg:$0x7];
	[sflag:s8] =	ssyncadd.s32 $0xFFFFFFC0  }
0x1d: {  	[tilespmem:s0], [sflag:$0x3] =	stream.linear.gather [hbm4b:s19+s2], $0x40, $0x38;
	[tilespmem:$0x10100] =	vst v63  }
0x1e: {  	_ =	swait.ge [sflag:s8], $0x40  }
0x1f: {  	[sflag:s8] =	ssyncset.done $0x0  }
0x20: {  	[sflag:s8] =	ssyncadd.s32 $0xFFFFFFC0  }
0x21: {  	v3 =	vld [tilespmem:$0x10000];
	_ =	sdelay $0x4  }
0x22: {  	v4 =	vshll.u32 v3, $0x3  }
0x23: {  	v3 =	vand.u32 $0x7, v3;
	v4 =	vand.u32 $0xFFFFFFC0, v4  }
0x24: {  	v3 =	vor.u32 v3, v4  }
0x25: {  	v4 =	vperm.xlane v3, v0;
	_ =	sdelay $0x1  }
0x26: {  	v4 =	vadd.s32 v1, v4;
	_ =	sdelay $0x4  }
0x27: {  	[hbm4b:s3+s2] =	stream.indirect_vreg.scatter [tilespmem:s2], [sflag:$0x1], $0x80, v4, vm0, $0xb8;
	[tilespmem:$0x10100] =	vst v63  }
0x28: {  	s18 =	simm.s32 $0x800;
	v3 =	vperm.xlane v3, v2  }
0x29: {  	[hbm4b:s4+s2] =	stream.indirect_vreg.scatter [tilespmem:s18], [sflag:$0x1], $0x80, v4, vm0, $0xb8;
	[tilespmem:$0x10100] =	vst v63  }
0x2a: {  	s19 =	simm.s32 $0x1000;
	v3 =	vadd.s32 v1, v3  }
0x2b: {  	[hbm4b:s5+s2] =	stream.indirect_vreg.scatter [tilespmem:s19], [sflag:$0x1], $0x80, v4, vm0, $0xb8;
	[tilespmem:$0x10100] =	vst v63  }
0x2c: {  	_ = 	snop  }
0x2d: {  	[hbm4b:s6+s2] =	stream.indirect_vreg.scatter [tilespmem:s20], [sflag:$0x1], $0x80, v4, vm0, $0xb8;
	[tilespmem:$0x10100] =	vst v63  }
0x2e: {  	_ = 	snop  }
0x2f: {  	[hbm4b:s3+s2] =	stream.indirect_vreg.scatter [tilespmem:s21], [sflag:$0x1], $0x80, v3, vm0, $0xb8;
	[tilespmem:$0x10100] =	vst v63  }
0x30: {  	_ = 	snop  }
0x31: {  	[hbm4b:s4+s2] =	stream.indirect_vreg.scatter [tilespmem:s22], [sflag:$0x1], $0x80, v3, vm0, $0xb8;
	[tilespmem:$0x10100] =	vst v63  }
0x32: {  	_ = 	snop  }
0x33: {  	[hbm4b:s5+s2] =	stream.indirect_vreg.scatter [tilespmem:s23], [sflag:$0x1], $0x80, v3, vm0, $0xb8;
	[tilespmem:$0x10100] =	vst v63  }
0x34: {  	_ = 	snop  }
0x35: {  	[hbm4b:s6+s2] =	stream.indirect_vreg.scatter [tilespmem:s24], [sflag:$0x1], $0x80, v3, vm0, $0xb8;
	[tilespmem:$0x10100] =	vst v63  }
0x36: {  	v3 =	vld [tilespmem:$0x10010];
	_ =	sdelay $0x4  }
0x37: {  	v57 =	vshll.u32 v3, $0x3  }
0x38: {  	v3 =	vand.u32 $0x7, v3;
	v4 =	vand.u32 $0xFFFFFFC0, v57  }
0x39: {  	v3 =	vor.u32 v3, v4  }
0x3a: {  	v4 =	vperm.xlane v3, v0;
	_ =	sdelay $0x1  }
0x3b: {  	v4 =	vadd.s32 v1, v4;
	_ =	sdelay $0x4  }
0x3c: {  	[hbm4b:s3+s2] =	stream.indirect_vreg.scatter [tilespmem:s25], [sflag:$0x1], $0x80, v4, vm0, $0xb8;
	[tilespmem:$0x10100] =	vst v63  }
0x3d: {  	v3 =	vperm.xlane v3, v2  }
0x3e: {  	[hbm4b:s4+s2] =	stream.indirect_vreg.scatter [tilespmem:s26], [sflag:$0x1], $0x80, v4, vm0, $0xb8;
	[tilespmem:$0x10100] =	vst v63  }
0x3f: {  	v3 =	vadd.s32 v1, v3  }
0x40: {  	[hbm4b:s5+s2] =	stream.indirect_vreg.scatter [tilespmem:s28], [sflag:$0x1], $0x80, v4, vm0, $0xb8;
	[tilespmem:$0x10100] =	vst v63  }
0x41: {  	_ = 	snop  }
0x42: {  	[hbm4b:s6+s2] =	stream.indirect_vreg.scatter [tilespmem:s29], [sflag:$0x1], $0x80, v4, vm0, $0xb8;
	[tilespmem:$0x10100] =	vst v63  }
0x43: {  	_ = 	snop  }
0x44: {  	[hbm4b:s3+s2] =	stream.indirect_vreg.scatter [tilespmem:s30], [sflag:$0x1], $0x80, v3, vm0, $0xb8;
	[tilespmem:$0x10100] =	vst v63  }
0x45: {  	_ = 	snop  }
0x46: {  	[hbm4b:s4+s2] =	stream.indirect_vreg.scatter [tilespmem:s31], [sflag:$0x1], $0x80, v3, vm0, $0xb8;
	[tilespmem:$0x10100] =	vst v63  }
0x47: {  	_ = 	snop  }
0x48: {  	[hbm4b:s5+s2] =	stream.indirect_vreg.scatter [tilespmem:s1], [sflag:$0x1], $0x80, v3, vm0, $0xb8;
	[tilespmem:$0x10100] =	vst v63  }
0x49: {  	s0 =	simm.s32 $0x7800  }
0x4a: {  	[hbm4b:s6+s2] =	stream.indirect_vreg.scatter [tilespmem:s0], [sflag:$0x1], $0x80, v3, vm0, $0xb8;
	[tilespmem:$0x10100] =	vst v63  }
0x4b: {  	v3 =	vld [tilespmem:$0x10020];
	_ =	sdelay $0x4  }
0x4c: {  	v58 =	vshll.u32 v3, $0x3  }
0x4d: {  	v3 =	vand.u32 $0x7, v3;
	v4 =	vand.u32 $0xFFFFFFC0, v58  }
0x4e: {  	v3 =	vor.u32 v3, v4  }
0x4f: {  	v4 =	vperm.xlane v3, v0;
	_ =	sdelay $0x1  }
0x50: {  	v4 =	vadd.s32 v1, v4;
	_ =	sdelay $0x4  }
0x51: {  	[hbm4b:s3+s2] =	stream.indirect_vreg.scatter [tilespmem:s9], [sflag:$0x1], $0x80, v4, vm0, $0xb8;
	[tilespmem:$0x10100] =	vst v63  }
0x52: {  	v3 =	vperm.xlane v3, v2  }
0x53: {  	[hbm4b:s4+s2] =	stream.indirect_vreg.scatter [tilespmem:s10], [sflag:$0x1], $0x80, v4, vm0, $0xb8;
	[tilespmem:$0x10100] =	vst v63  }
0x54: {  	v3 =	vadd.s32 v1, v3  }
0x55: {  	[hbm4b:s5+s2] =	stream.indirect_vreg.scatter [tilespmem:s11], [sflag:$0x1], $0x80, v4, vm0, $0xb8;
	[tilespmem:$0x10100] =	vst v63  }
0x56: {  	_ = 	snop  }
0x57: {  	[hbm4b:s6+s2] =	stream.indirect_vreg.scatter [tilespmem:s12], [sflag:$0x1], $0x80, v4, vm0, $0xb8;
	[tilespmem:$0x10100] =	vst v63  }
0x58: {  	_ = 	snop  }
0x59: {  	[hbm4b:s3+s2] =	stream.indirect_vreg.scatter [tilespmem:s13], [sflag:$0x1], $0x80, v3, vm0, $0xb8;
	[tilespmem:$0x10100] =	vst v63  }
0x5a: {  	_ = 	snop  }
0x5b: {  	[hbm4b:s4+s2] =	stream.indirect_vreg.scatter [tilespmem:s14], [sflag:$0x1], $0x80, v3, vm0, $0xb8;
	[tilespmem:$0x10100] =	vst v63  }
0x5c: {  	_ = 	snop  }
0x5d: {  	[hbm4b:s5+s2] =	stream.indirect_vreg.scatter [tilespmem:s15], [sflag:$0x1], $0x80, v3, vm0, $0xb8;
	[tilespmem:$0x10100] =	vst v63  }
0x5e: {  	_ = 	snop  }
0x5f: {  	[hbm4b:s6+s2] =	stream.indirect_vreg.scatter [tilespmem:s16], [sflag:$0x1], $0x80, v3, vm0, $0xb8;
	[tilespmem:$0x10100] =	vst v63  }
0x60: {  	v3 =	vld [tilespmem:$0x10030];
	_ =	sdelay $0x4  }
0x61: {  	v59 =	vshll.u32 v3, $0x3  }
0x62: {  	v3 =	vand.u32 $0x7, v3;
	v4 =	vand.u32 $0xFFFFFFC0, v59  }
0x63: {  	v3 =	vor.u32 v3, v4  }
0x64: {  	v4 =	vperm.xlane v3, v0;
	_ =	sdelay $0x1  }
0x65: {  	v4 =	vadd.s32 v1, v4;
	_ =	sdelay $0x4  }
0x66: {  	[hbm4b:s3+s2] =	stream.indirect_vreg.scatter [tilespmem:s17], [sflag:$0x1], $0x80, v4, vm0, $0xb8;
	[tilespmem:$0x10100] =	vst v63  }
0x67: {  	s0 =	simm.s32 $0xC800;
	v3 =	vperm.xlane v3, v2  }
0x68: {  	[hbm4b:s4+s2] =	stream.indirect_vreg.scatter [tilespmem:s0], [sflag:$0x1], $0x80, v4, vm0, $0xb8;
	[tilespmem:$0x10100] =	vst v63  }
0x69: {  	v3 =	vadd.s32 v1, v3;
	s0 =	simm.s32 $0xD000  }
0x6a: {  	[hbm4b:s5+s2] =	stream.indirect_vreg.scatter [tilespmem:s0], [sflag:$0x1], $0x80, v4, vm0, $0xb8;
	[tilespmem:$0x10100] =	vst v63  }
0x6b: {  	s0 =	simm.s32 $0xD800  }
0x6c: {  	[hbm4b:s6+s2] =	stream.indirect_vreg.scatter [tilespmem:s0], [sflag:$0x1], $0x80, v4, vm0, $0xb8;
	[tilespmem:$0x10100] =	vst v63  }
0x6d: {  	s0 =	simm.s32 $0xE000  }
0x6e: {  	[hbm4b:s3+s2] =	stream.indirect_vreg.scatter [tilespmem:s0], [sflag:$0x1], $0x80, v3, vm0, $0xb8;
	[tilespmem:$0x10100] =	vst v63  }
0x6f: {  	s0 =	simm.s32 $0xE800  }
0x70: {  	[hbm4b:s4+s2] =	stream.indirect_vreg.scatter [tilespmem:s0], [sflag:$0x1], $0x80, v3, vm0, $0xb8;
	[tilespmem:$0x10100] =	vst v63  }
0x71: {  	s0 =	simm.s32 $0xF000  }
0x72: {  	[hbm4b:s5+s2] =	stream.indirect_vreg.scatter [tilespmem:s0], [sflag:$0x1], $0x80, v3, vm0, $0xb8;
	[tilespmem:$0x10100] =	vst v63  }
0x73: {  	s0 =	simm.s32 $0xF800  }
0x74: {  	[hbm4b:s6+s2] =	stream.indirect_vreg.scatter [tilespmem:s0], [sflag:$0x1], $0x80, v3, vm0, $0xb8;
	[tilespmem:$0x10100] =	vst v63  }
0x75: {  	v3 =	vld [tilespmem:$0x10080];
	_ =	sdelay $0x4  }
0x76: {  	v60 =	vshll.u32 v3, $0x3  }
0x77: {  	v3 =	vand.u32 $0x7, v3;
	v4 =	vand.u32 $0xFFFFFFC0, v60  }
0x78: {  	v3 =	vor.u32 v3, v4  }
0x79: {  	v4 =	vperm.xlane v3, v0;
	_ =	sdelay $0x1  }
0x7a: {  	v4 =	vadd.s32 v1, v4;
	_ =	sdelay $0x4  }
0x7b: {  	[hbm4b:s3+s2] =	stream.indirect_vreg.scatter [tilespmem:s2], [sflag:$0x2], $0x80, v4, vm0, $0xb8;
	[tilespmem:$0x10100] =	vst v63  }
0x7c: {  	v3 =	vperm.xlane v3, v2  }
0x7d: {  	[hbm4b:s4+s2] =	stream.indirect_vreg.scatter [tilespmem:s18], [sflag:$0x2], $0x80, v4, vm0, $0xb8;
	[tilespmem:$0x10100] =	vst v63  }
0x7e: {  	v3 =	vadd.s32 v1, v3  }
0x7f: {  	[hbm4b:s5+s2] =	stream.indirect_vreg.scatter [tilespmem:s19], [sflag:$0x2], $0x80, v4, vm0, $0xb8;
	[tilespmem:$0x10100] =	vst v63  }
0x80: {  	_ = 	snop  }
0x81: {  	[hbm4b:s6+s2] =	stream.indirect_vreg.scatter [tilespmem:s20], [sflag:$0x2], $0x80, v4, vm0, $0xb8;
	[tilespmem:$0x10100] =	vst v63  }
0x82: {  	_ = 	snop  }
0x83: {  	[hbm4b:s3+s2] =	stream.indirect_vreg.scatter [tilespmem:s21], [sflag:$0x2], $0x80, v3, vm0, $0xb8;
	[tilespmem:$0x10100] =	vst v63  }
0x84: {  	_ = 	snop  }
0x85: {  	[hbm4b:s4+s2] =	stream.indirect_vreg.scatter [tilespmem:s22], [sflag:$0x2], $0x80, v3, vm0, $0xb8;
	[tilespmem:$0x10100] =	vst v63  }
0x86: {  	_ = 	snop  }
0x87: {  	[hbm4b:s5+s2] =	stream.indirect_vreg.scatter [tilespmem:s23], [sflag:$0x2], $0x80, v3, vm0, $0xb8;
	[tilespmem:$0x10100] =	vst v63  }
0x88: {  	_ = 	snop  }
0x89: {  	[hbm4b:s6+s2] =	stream.indirect_vreg.scatter [tilespmem:s24], [sflag:$0x2], $0x80, v3, vm0, $0xb8;
	[tilespmem:$0x10100] =	vst v63  }
0x8a: {  	v3 =	vld [tilespmem:$0x10090];
	_ =	sdelay $0x4  }
0x8b: {  	v61 =	vshll.u32 v3, $0x3  }
0x8c: {  	v3 =	vand.u32 $0x7, v3;
	v4 =	vand.u32 $0xFFFFFFC0, v61  }
0x8d: {  	v3 =	vor.u32 v3, v4  }
0x8e: {  	v4 =	vperm.xlane v3, v0;
	_ =	sdelay $0x1  }
0x8f: {  	v4 =	vadd.s32 v1, v4;
	_ =	sdelay $0x4  }
0x90: {  	[hbm4b:s3+s2] =	stream.indirect_vreg.scatter [tilespmem:s25], [sflag:$0x2], $0x80, v4, vm0, $0xb8;
	[tilespmem:$0x10100] =	vst v63  }
0x91: {  	v3 =	vperm.xlane v3, v2  }
0x92: {  	[hbm4b:s4+s2] =	stream.indirect_vreg.scatter [tilespmem:s26], [sflag:$0x2], $0x80, v4, vm0, $0xb8;
	[tilespmem:$0x10100] =	vst v63  }
0x93: {  	v3 =	vadd.s32 v1, v3  }
0x94: {  	[hbm4b:s5+s2] =	stream.indirect_vreg.scatter [tilespmem:s28], [sflag:$0x2], $0x80, v4, vm0, $0xb8;
	[tilespmem:$0x10100] =	vst v63  }
0x95: {  	_ = 	snop  }
0x96: {  	[hbm4b:s6+s2] =	stream.indirect_vreg.scatter [tilespmem:s29], [sflag:$0x2], $0x80, v4, vm0, $0xb8;
	[tilespmem:$0x10100] =	vst v63  }
0x97: {  	_ = 	snop  }
0x98: {  	[hbm4b:s3+s2] =	stream.indirect_vreg.scatter [tilespmem:s30], [sflag:$0x2], $0x80, v3, vm0, $0xb8;
	[tilespmem:$0x10100] =	vst v63  }
0x99: {  	_ = 	snop  }
0x9a: {  	[hbm4b:s4+s2] =	stream.indirect_vreg.scatter [tilespmem:s31], [sflag:$0x2], $0x80, v3, vm0, $0xb8;
	[tilespmem:$0x10100] =	vst v63  }
0x9b: {  	_ = 	snop  }
0x9c: {  	[hbm4b:s5+s2] =	stream.indirect_vreg.scatter [tilespmem:s1], [sflag:$0x2], $0x80, v3, vm0, $0xb8;
	[tilespmem:$0x10100] =	vst v63  }
0x9d: {  	s18 =	simm.s32 $0x7800  }
0x9e: {  	[hbm4b:s6+s2] =	stream.indirect_vreg.scatter [tilespmem:s18], [sflag:$0x2], $0x80, v3, vm0, $0xb8;
	[tilespmem:$0x10100] =	vst v63  }
0x9f: {  	v3 =	vld [tilespmem:$0x100A0];
	_ =	sdelay $0x4  }
0xa0: {  	v62 =	vshll.u32 v3, $0x3  }
0xa1: {  	v3 =	vand.u32 $0x7, v3;
	v4 =	vand.u32 $0xFFFFFFC0, v62  }
0xa2: {  	v3 =	vor.u32 v3, v4  }
0xa3: {  	v4 =	vperm.xlane v3, v0;
	_ =	sdelay $0x1  }
0xa4: {  	v4 =	vadd.s32 v1, v4;
	_ =	sdelay $0x4  }
0xa5: {  	[hbm4b:s3+s2] =	stream.indirect_vreg.scatter [tilespmem:s9], [sflag:$0x2], $0x80, v4, vm0, $0xb8;
	[tilespmem:$0x10100] =	vst v63  }
0xa6: {  	v3 =	vperm.xlane v3, v2  }
0xa7: {  	[hbm4b:s4+s2] =	stream.indirect_vreg.scatter [tilespmem:s10], [sflag:$0x2], $0x80, v4, vm0, $0xb8;
	[tilespmem:$0x10100] =	vst v63  }
0xa8: {  	v3 =	vadd.s32 v1, v3  }
0xa9: {  	[hbm4b:s5+s2] =	stream.indirect_vreg.scatter [tilespmem:s11], [sflag:$0x2], $0x80, v4, vm0, $0xb8;
	[tilespmem:$0x10100] =	vst v63  }
0xaa: {  	_ = 	snop  }
0xab: {  	[hbm4b:s6+s2] =	stream.indirect_vreg.scatter [tilespmem:s12], [sflag:$0x2], $0x80, v4, vm0, $0xb8;
	[tilespmem:$0x10100] =	vst v63  }
0xac: {  	_ = 	snop  }
0xad: {  	[hbm4b:s3+s2] =	stream.indirect_vreg.scatter [tilespmem:s13], [sflag:$0x2], $0x80, v3, vm0, $0xb8;
	[tilespmem:$0x10100] =	vst v63  }
0xae: {  	_ = 	snop  }
0xaf: {  	[hbm4b:s4+s2] =	stream.indirect_vreg.scatter [tilespmem:s14], [sflag:$0x2], $0x80, v3, vm0, $0xb8;
	[tilespmem:$0x10100] =	vst v63  }
0xb0: {  	_ = 	snop  }
0xb1: {  	[hbm4b:s5+s2] =	stream.indirect_vreg.scatter [tilespmem:s15], [sflag:$0x2], $0x80, v3, vm0, $0xb8;
	[tilespmem:$0x10100] =	vst v63  }
0xb2: {  	_ = 	snop  }
0xb3: {  	[hbm4b:s6+s2] =	stream.indirect_vreg.scatter [tilespmem:s16], [sflag:$0x2], $0x80, v3, vm0, $0xb8;
	[tilespmem:$0x10100] =	vst v63  }
0xb4: {  	v3 =	vld [tilespmem:$0x100B0];
	_ =	sdelay $0x4  }
0xb5: {  	v63 =	vshll.u32 v3, $0x3  }
0xb6: {  	v3 =	vand.u32 $0x7, v3;
	v4 =	vand.u32 $0xFFFFFFC0, v63  }
0xb7: {  	v3 =	vor.u32 v3, v4  }
0xb8: {  	v4 =	vperm.xlane v3, v0;
	_ =	sdelay $0x1  }
0xb9: {  	v4 =	vadd.s32 v1, v4;
	_ =	sdelay $0x4  }
0xba: {  	[hbm4b:s3+s2] =	stream.indirect_vreg.scatter [tilespmem:s17], [sflag:$0x2], $0x80, v4, vm0, $0xb8;
	[tilespmem:$0x10100] =	vst v63  }
0xbb: {  	s19 =	simm.s32 $0xC800;
	v3 =	vperm.xlane v3, v2  }
0xbc: {  	[hbm4b:s4+s2] =	stream.indirect_vreg.scatter [tilespmem:s19], [sflag:$0x2], $0x80, v4, vm0, $0xb8;
	[tilespmem:$0x10100] =	vst v63  }
0xbd: {  	s18 =	simm.s32 $0xD000;
	v3 =	vadd.s32 v1, v3  }
0xbe: {  	[hbm4b:s5+s2] =	stream.indirect_vreg.scatter [tilespmem:s18], [sflag:$0x2], $0x80, v4, vm0, $0xb8;
	[tilespmem:$0x10100] =	vst v63  }
0xbf: {  	s19 =	simm.s32 $0xD800  }
0xc0: {  	[hbm4b:s6+s2] =	stream.indirect_vreg.scatter [tilespmem:s19], [sflag:$0x2], $0x80, v4, vm0, $0xb8;
	[tilespmem:$0x10100] =	vst v63  }
0xc1: {  	s18 =	simm.s32 $0xE000  }
0xc2: {  	[hbm4b:s3+s2] =	stream.indirect_vreg.scatter [tilespmem:s18], [sflag:$0x2], $0x80, v3, vm0, $0xb8;
	[tilespmem:$0x10100] =	vst v63  }
0xc3: {  	s19 =	simm.s32 $0xE800  }
0xc4: {  	[hbm4b:s4+s2] =	stream.indirect_vreg.scatter [tilespmem:s19], [sflag:$0x2], $0x80, v3, vm0, $0xb8;
	[tilespmem:$0x10100] =	vst v63  }
0xc5: {  	s18 =	simm.s32 $0xF000  }
0xc6: {  	[hbm4b:s5+s2] =	stream.indirect_vreg.scatter [tilespmem:s18], [sflag:$0x2], $0x80, v3, vm0, $0xb8;
	[tilespmem:$0x10100] =	vst v63  }
0xc7: {  	s19 =	simm.s32 $0xF800;
	s18 =	simm.s32 $0x1  }
0xc8: {  	[hbm4b:s6+s2] =	stream.indirect_vreg.scatter [tilespmem:s19], [sflag:$0x2], $0x80, v3, vm0, $0xb8;
	[tilespmem:$0x10100] =	vst v63  }
0xc9: {  	p0 =	sne.s32 s7, $0x1;
	_ =	swait.ge [sflag:s18], $0x10000  }
.Ltmp0:
0xca: {  	[sflag:s18] =	ssyncset.done $0x0;
	(pc) =	sbr.rel @p0 .LBB2_1-.Ltmp0, $4  }
0xcb: {  	s19 =	simm.s32 $0x2;
	[sflag:s18] =	ssyncadd.s32 $0xFFFF0000  }
0xcc: {  	_ =	swait.ge [sflag:s19], $0x10000  }
0xcd: {  	[sflag:s19] =	ssyncset.done $0x0  }
0xce: {  	s7 =	sadd.s32 $0xFFFFFFFF, s7;
	[sflag:s19] =	ssyncadd.s32 $0xFFFF0000  }
0xcf: {  	_ =	sfence.sel $0x180000  }
0xd0: {  	[bflag:$0x0] =	sbarrier.arrive $0xFFFF  }
0xd1: {  	_ =	strace $0x90000047  }
0xd2: {  	s0 =	stileid.u32;
	[bflag:$0x2] =	sbarrier.arrive $0xFFFF  }
0xd3: {  	p0 =	sne.s32 s0, $0x0;
	s0 =	rddreg [dreg:$0x2]  }
0xd4: {  	s0 =	sadd.s32 @!p0 $0x100000, s0  }
0xd5: {  	[sflag:s0] =	ssyncadd.tile.s32 @!p0 $0x1;
	_ =	shalt  }
.Lfunc_end2:
_tile_overlayer_lowered:
.L_overlay_start_2:
0xd6: {  	(tag) =	ssettag $0x2  }
0xd7: {  	s0 =	rddreg [dreg:$0x0];
	s2 =	stileid.u32  }
0xd8: {  	s1 =	rddreg [dreg:$0x1];
	p0 =	sne.s32 s2, $0x0  }
0xd9: {  	s3 =	rddreg [dreg:$0x2];
	[bflag:$0x3] =	sbarrier.arrive $0xFFFF;
	s2 =	simm.s32 @!p0 $0x1C03  }
0xda: {  	[timem:s3], [sflag:s2] =	dma.local @!p0 [hbm:s0], s1  }
0xdb: {  	s0 =	simm.s32 @!p0 $0x3  }
0xdc: {  	_ =	swait.ge @!p0 [sflag:s0], s1  }
0xdd: {  	s1 =	ssub.s32 @!p0 $0x0, s1;
	[sflag:s0] =	ssyncset.done @!p0 $0x0  }
0xde: {  	[sflag:s0] =	ssyncadd.s32 @!p0 s1  }
0xdf: {  	[bflag:$0x3] =	sbarrier.arrive $0xFFFF  }
0xe0: {  	_ =	shalt  }

// kernel: kernel.15.cloned.1.call-start
scs
__scs_entry_jumppad:
0x0: {  	(pc) =	sbr.rel $0x88, $3  }
0x1: {  	(tag) =	ssettag $0x0;
	lr =	simm.s32 $0x1  }
0x2: {  	[smem:$0x3F96] =	sst lr;
	_ =	strace $0xD0000000  }
0x3: {  	_ = 	snop  }
0x4: {  	_ = 	snop  }
0x5: {  	_ = 	snop  }
0x6: {  	_ = 	snop  }
0x7: {  	_ = 	snop  }
__scs_overlays_trampoline_lowered:
0x8: {  	[smem:$0x3FA5] =	sst s0  }
0x9: {  	[smem:$0x3FA6] =	sst s1  }
0xa: {  	[smem:$0x3FA7] =	sst s2  }
0xb: {  	[smem:$0x3FA8] =	sst s3  }
0xc: {  	[smem:$0x3FA9] =	sst s4  }
0xd: {  	[smem:$0x3FAA] =	sst s5  }
0xe: {  	[smem:$0x3FAB] =	sst s6  }
0xf: {  	[smem:$0x3FAC] =	sst s7  }
0x10: {  	[smem:$0x3FAD] =	sst s8  }
0x11: {  	[smem:$0x3FAE] =	sst s9;
	s0 =	simm.s32 @!p0 $0x0  }
0x12: {  	s1 =	sld [smem:$0x3F94];
	s0 =	simm.s32 @p0 $0x1  }
0x13: {  	[smem:$0x3FAF] =	sst s0;
	s0 =	simm.s32 @!p1 $0x0  }
0x14: {  	s2 =	sld [smem:$0x3F93];
	s0 =	simm.s32 @p1 $0x1  }
0x15: {  	[smem:$0x3FB0] =	sst s0;
	s0 =	simm.s32 @!p2 $0x0  }
0x16: {  	s3 =	sld [smem:$0x3FDB];
	s0 =	simm.s32 @p2 $0x1  }
0x17: {  	s4 =	simm.s32 $0x1BF5;
	[smem:$0x3FB2] =	sst s0  }
0x18: {  	s0 =	sld [smem:$0x3F95];
	_ =	swait.ge [sflag:s4], $0x0  }
0x19: {  	s7 =	sld [smem:$0x3F96]  }
0x1a: {  	s8 =	sadd.s32 $0xFFFFE003, lr  }
0x1b: {  	s9 =	sadd.s32 $0xFFFFFEF7, lr;
	s5 =	simm.s32 $0xFFFFFFFF;
	p2 =	slt.u32 s8, $0xFFFFF086  }
0x1c: {  	p1 =	slt.u32 s9, $0xF7A;
	s5 =	simm.s32 @!p2 $0x0  }
0x1d: {  	s5 =	simm.s32 @p1 $0x1;
	p0 =	seq.s32 s7, s2  }
0x1e: {  	s7 =	smul.u32 @!p0 $0xF7A, s2;
	p2 =	seq.s32 @!p0 s5, $0x0  }
0x1f: {  	s9 =	smul.u32 $0xF7A, s1;
	s8 =	simm.s32 @!p0 $0x1BF5;
	p2 =	por !p2, p0  }
0x20: {  	[sflag:s8] =	ssyncset.s32 @!p0 $0xFFFFF086;
	s6 =	sadd.s32 @!p0 s3, s7;
	s7 =	simm.s32 @!p0 $0x108  }
0x21: {  	s3 =	sadd.s32 s3, s9;
	s6 =	sadd.s32 @!p0 $0x88, s6;
	s7 =	simm.s32 @p2 $0x1082  }
0x22: {  	[simem:s7], [sflag:s8] =	dma.local @!p0 [hbm:s6], $0xF7A  }
0x23: {  	s9 =	sor.u32 $0xD0000000, s2;
	s6 =	simm.s32 $0x108;
	_ =	swait.ge @!p0 [sflag:s8], $0x0  }
0x24: {  	s3 =	sadd.s32 $0x88, s3;
	s6 =	simm.s32 @!p1 $0x1082;
	[sflag:s4] =	ssyncset.s32 $0xFFFFF086  }
0x25: {  	[simem:s6], [sflag:s4] =	dma.local [hbm:s3], $0xF7A  }
0x26: {  	[smem:$0x3F96] =	sst s1;
	(tag) =	ssettag s2;
	_ =	strace s9  }
0x27: {  	s1 =	sld [smem:$0x3FA6]  }
0x28: {  	s2 =	sld [smem:$0x3FA7]  }
0x29: {  	s4 =	sld [smem:$0x3FA9]  }
0x2a: {  	p0 =	seq.s32 s5, $0x0;
	s5 =	sld [smem:$0x3FAA]  }
0x2b: {  	s6 =	sld [smem:$0x3FAB]  }
0x2c: {  	s7 =	sld [smem:$0x3FAC]  }
0x2d: {  	s3 =	simm.s32 $0x108;
	s8 =	sld [smem:$0x3FAD]  }
0x2e: {  	s3 =	simm.s32 @!p0 $0x1082;
	s9 =	sld [smem:$0x3FAE]  }
0x2f: {  	lr =	sadd.s32 s0, s3;
	s0 =	sld [smem:$0x3FA5]  }
0x30: {  	s3 =	sld [smem:$0x3FA8]  }
0x31: {  	[smem:$0x3FB1] =	sst s10  }
0x32: {  	s10 =	sld [smem:$0x3FAF];
	_ =	sdelay $0x3  }
0x33: {  	p0 =	seq.s32 s10, $0x1;
	s10 =	sld [smem:$0x3FB1];
	_ =	sdelay $0x3  }
0x34: {  	[smem:$0x3FB1] =	sst s10  }
0x35: {  	s10 =	sld [smem:$0x3FB0];
	_ =	sdelay $0x3  }
0x36: {  	p1 =	seq.s32 s10, $0x1;
	s10 =	sld [smem:$0x3FB1];
	_ =	sdelay $0x3  }
0x37: {  	[smem:$0x3FB1] =	sst s10  }
0x38: {  	s10 =	sld [smem:$0x3FB2]  }
0x39: {  	_ = 	snop;
	(pc) =	sbr.ind lr, $3  }
0x3a: {  	_ = 	snop  }
0x3b: {  	_ = 	snop  }
0x3c: {  	p2 =	seq.s32 s10, $0x1;
	s10 =	sld [smem:$0x3FB1]  }
0x3d: {  	_ =	shalt  }
0x3e: {  	_ =	shalt  }
0x3f: {  	_ =	shalt  }
0x40: {  	_ =	shalt  }
0x41: {  	_ =	shalt  }
0x42: {  	_ =	shalt  }
0x43: {  	_ =	shalt  }
0x44: {  	_ =	shalt  }
0x45: {  	_ =	shalt  }
0x46: {  	_ =	shalt  }
0x47: {  	_ =	shalt  }
0x48: {  	_ =	shalt  }
0x49: {  	_ =	shalt  }
0x4a: {  	_ =	shalt  }
0x4b: {  	_ =	shalt  }
0x4c: {  	_ =	shalt  }
0x4d: {  	_ =	shalt  }
0x4e: {  	_ =	shalt  }
0x4f: {  	_ =	shalt  }
0x50: {  	_ =	shalt  }
0x51: {  	_ =	shalt  }
0x52: {  	_ =	shalt  }
0x53: {  	_ =	shalt  }
0x54: {  	_ =	shalt  }
0x55: {  	_ =	shalt  }
0x56: {  	_ =	shalt  }
0x57: {  	_ =	shalt  }
0x58: {  	_ =	shalt  }
0x59: {  	_ =	shalt  }
0x5a: {  	_ =	shalt  }
0x5b: {  	_ =	shalt  }
0x5c: {  	_ =	shalt  }
0x5d: {  	_ =	shalt  }
0x5e: {  	_ =	shalt  }
0x5f: {  	_ =	shalt  }
0x60: {  	_ =	shalt  }
0x61: {  	_ =	shalt  }
0x62: {  	_ =	shalt  }
0x63: {  	_ =	shalt  }
0x64: {  	_ =	shalt  }
0x65: {  	_ =	shalt  }
0x66: {  	_ =	shalt  }
0x67: {  	_ =	shalt  }
0x68: {  	_ =	shalt  }
0x69: {  	_ =	shalt  }
0x6a: {  	_ =	shalt  }
0x6b: {  	_ =	shalt  }
0x6c: {  	_ =	shalt  }
0x6d: {  	_ =	shalt  }
0x6e: {  	_ =	shalt  }
0x6f: {  	_ =	shalt  }
0x70: {  	_ =	shalt  }
0x71: {  	_ =	shalt  }
0x72: {  	_ =	shalt  }
0x73: {  	_ =	shalt  }
0x74: {  	_ =	shalt  }
0x75: {  	_ =	shalt  }
0x76: {  	_ =	shalt  }
0x77: {  	_ =	shalt  }
0x78: {  	_ =	shalt  }
0x79: {  	_ =	shalt  }
0x7a: {  	_ =	shalt  }
0x7b: {  	_ =	shalt  }
0x7c: {  	_ =	shalt  }
0x7d: {  	_ =	shalt  }
0x7e: {  	_ =	shalt  }
0x7f: {  	_ =	shalt  }
0x80: {  	_ =	shalt  }
0x81: {  	_ =	shalt  }
0x82: {  	_ =	shalt  }
0x83: {  	_ =	shalt  }
0x84: {  	_ =	shalt  }
0x85: {  	_ =	shalt  }
0x86: {  	_ =	shalt  }
0x87: {  	_ =	shalt  }
.Lfunc_end0:
.L_simem_size_0:
called_computation.1_lowered:
.L_overlay_start_0:
0x88: {  	s2 =	sld [smem:$0x3FD9]  }
0x89: {  	s3 =	sld [smem:$0x3FFE];
	_ =	sdelay $0x1  }
0x8a: {  	s1 =	srdreg.scid  }
0x8b: {  	s0 =	sand.u32 $0x1, s1  }
0x8c: {  	s16 =	sshll.u32 s0, $0xA;
	s2 =	sadd.s32 s3, s2  }
0x8d: {  	s2 =	sadd.s32 s2, s16  }
0x8e: {  	[smem:$0x3FBD] =	sst s2  }
0x8f: {  	_ = 	snop  }
0x90: {  	(tm) =	ssettm $0x1  }
0x91: {  	s17 =	sld [smem:$0x3FFB];
	_ =	sdelay $0x3  }
0x92: {  	_ =	strace s17  }
0x93: {  	s2 =	sld [smem:$0x3FFC];
	_ =	sdelay $0x3  }
0x94: {  	_ =	strace s2  }
0x95: {  	s2 =	sld [smem:$0x3FFD];
	_ =	sdelay $0x3  }
0x96: {  	_ =	strace s2  }
0x97: {  	_ =	strace $0x8FFFFFFF  }
0x98: {  	s18 =	sld [smem:$0x3FDB];
	_ =	sdelay $0x1  }
0x99: {  	s19 =	simm.s32 $_scs_section_size  }
0x9a: {  	s4 =	simm.s32 $_size__tile_overlayer_lowered;
	s5 =	simm.s32 $_tile_overlayer_lowered  }
0x9b: {  	s22 =	simm.s32 $0x1BFF;
	s21 =	sshll.u32 s5, $0x1;
	s2 =	sadd.s32 s19, s18  }
0x9c: {  	s6 =	simm.s32 $0x0;
	s20 =	sshll.u32 s4, $0x1;
	s4 =	sadd.s32 s21, s2  }
0x9d: {  	[timem:s6], [sflag:s22] =	dma.local [hbm:s4], s20  }
0x9e: {  	_ =	swait.ge [sflag:s22], s20  }
0x9f: {  	s3 =	ssub.s32 $0x0, s20;
	[sflag:s22] =	ssyncset.done $0x0  }
0xa0: {  	[sflag:s22] =	ssyncadd.s32 s3;
	_ =	sdelay $0x1  }
0xa1: {  	s23 =	simm.s32 $0x1B8B  }
0xa2: {  	_ =	swait.ge [sflag:s23], $0x1  }
0xa3: {  	[sflag:s23] =	ssyncset.done $0x0  }
0xa4: {  	s25 =	simm.s32 $0x1B8E;
	s24 =	sld [smem:$0x3FFE];
	[sflag:s23] =	ssyncadd.s32 $0xFFFFFFFF  }
0xa5: {  	s26 =	simm.s32 $execute0_lowered;
	[smem:$0x3FD2] =	sst s25  }
0xa6: {  	s4 =	sshll.u32 s26, $0x1;
	_ =	strace $0x80000049;
	[dreg:$0x1] =	wrdreg $0xFFFFFFFF  }
0xa7: {  	s28 =	simm.s32 $_size_execute0_lowered;
	s2 =	sadd.s32 s2, s4;
	[dreg:$0x0] =	wrdreg $0x0  }
0xa8: {  	s4 =	sshll.u32 s28, $0x1;
	[dreg:$0x2] =	wrdreg s2  }
0xa9: {  	[dreg:$0x3] =	wrdreg s4  }
0xaa: {  	[dreg:$0x4] =	wrdreg $0xC0  }
0xab: {  	_ =	task [dreg:s6], $0x5FFFF  }
0xac: {  	[dreg:$0x1] =	wrdreg $0xFFFFFFFF  }
0xad: {  	[dreg:$0x0] =	wrdreg $0x60  }
0xae: {  	[dreg:$0x2] =	wrdreg s24  }
0xaf: {  	[dreg:$0x3] =	wrdreg $0x9  }
0xb0: {  	_ =	task.clear_ibuf [dreg:s6], $0x4FFFF;
	_ =	strace $0x90000049  }
0xb1: {  	s29 =	simm.s32 $0x9;
	_ =	strace $0x8000004B  }
0xb2: {  	_ =	swait.ge [sflag:s29], $0x1  }
0xb3: {  	[sflag:s29] =	ssyncadd.s32 $0xFFFFFFFF  }
0xb4: {  	_ =	strace $0x9000004B  }
0xb5: {  	_ =	sfence  }
0xb6: {  	s30 =	sld [smem:$0x0];
	_ =	sdelay $0x2  }
0xb7: {  	s31 =	sshll.u32 s1, $0xD;
	s1 =	sshrl.u32 s1, $0x2  }
0xb8: {  	s3 =	sand.u32 $0x4000, s31;
	s1 =	sadd.s32 s1, s30  }
0xb9: {  	s0 =	sor.u32 s3, s0;
	s1 =	sshll.u32 s1, $0x11  }
0xba: {  	s0 =	sor.u32 s1, s0  }
0xbb: {  	s0 =	sadd.s32 $0x8F2B, s0  }
0xbc: {  	[sflag:s0] =	ssyncadd.remote.s32 $0x1  }
0xbd: {  	_ =	sfence.sel $0xFFFF  }
0xbe: {  	[dreg:$0x0] =	wrdreg $0xFFFFFFFF;
	(pc) =	sbr.abs _section_cstart, $3  }
0xbf: {  	[dreg:$0x1] =	wrdreg $0xFFFFFFFF  }
0xc0: {  	_ =	task.clear_ibuf [dreg:s6], $0x2FFFF;
	_ =	strace $0x9FFFFFFF  }
0xc1: {  	(tm) =	ssettm $0x7FFFFFFF  }
tec
execute0_lowered:
.L_overlay_start_1:
0x0: {  	(tag) =	ssettag $0x1  }
0x1: {  	s0 =	rddreg [dreg:$0x0];
	s1 =	srdreg.scid  }
0x2: {  	s2 =	simm.s32 $0x0;
	s3 =	stileid.u32;
	s17 =	simm.s32 $0x1  }
0x3: {  	s19 =	simm.s32 $0x10000;
	s20 =	simm.s32 $0x800;
	s21 =	simm.s32 $0x1000  }
0x4: {  	s22 =	simm.s32 $0x1800;
	s23 =	simm.s32 $0x2000;
	s28 =	simm.s32 $0x4000  }
0x5: {  	s29 =	simm.s32 $0x4800;
	s30 =	simm.s32 $0x5000;
	s31 =	simm.s32 $0x5800  }
0x6: {  	s11 =	simm.s32 $0x8000;
	s12 =	simm.s32 $0x8800;
	s13 =	simm.s32 $0x9000  }
0x7: {  	s14 =	simm.s32 $0x9800;
	s15 =	simm.s32 $0xA000;
	s16 =	simm.s32 $0xA800  }
0x8: {  	s1 =	sand.u32 $0x1, s1;
	[smem:$0x7FF] =	sst s2;
	s3 =	sshll.u32 s3, $0x8  }
0x9: {  	s6 =	sadd.s32 $0x2E00, s0;
	s8 =	sadd.s32 $0xBDC00, s0;
	s4 =	sshll.u32 s1, $0x7  }
0xa: {  	_ =	strace $0x8000004A;
	s1 =	ssub.s32 $0x2, s1;
	s5 =	sor.u32 s4, s3  }
0xb: {  	s3 =	sadd.s32 $0x1DC00, s0;
	s7 =	sshrl.u32 s1, $0x1;
	s4 =	sshrl.u32 s5, $0x3  }
0xc: {  	s1 =	ssub.s32 s1, s7;
	s24 =	sshll.u32 s5, $0x7;
	s9 =	sor.u32 $0x40, s5  }
0xd: {  	s5 =	sadd.s32 $0x1DE00, s0;
	s4 =	sadd.s32 s6, s4;
	s7 =	sadd.s32 s8, s24  }
0xe: {  	s10 =	sshrl.u32 s9, $0x3;
	s9 =	sshll.u32 s9, $0x7;
	[dreg:$0x2] =	wrdreg s4  }
0xf: {  	s24 =	simm.s32 $0x2800;
	s4 =	sadd.s32 $0x1DD00, s0;
	[dreg:$0x3] =	wrdreg s7  }
0x10: {  	s25 =	sadd.s32 s6, s10;
	s6 =	sadd.s32 $0x1DF00, s0;
	s26 =	sadd.s32 s8, s9  }
0x11: {  	v2 =	vlaneseq.u32;
	s7 =	smax.u32 s1, $0x1;
	s9 =	simm.s32 $0x2;
	s1 =	simm.s32 $0x6800  }
0x12: {  	vm0 =	vmmov $0xffff;
	v1 =	vshrl.u32 v2, $0x3;
	s8 =	simm.s32 $0x7000;
	s10 =	simm.s32 $0x7800;
	[dreg:$0x4] =	wrdreg s25  }
0x13: {  	v0 =	vand.u32 $0x7, v2;
	v2 =	vor.u32 $0x8, v2;
	v1 =	vmul.u32 $0x8, v1;
	[dreg:$0x5] =	wrdreg s26;
	s25 =	simm.s32 $0x3000;
	s26 =	simm.s32 $0x3800  }
.LBB2_1:
0x14: {  	s18 =	rddreg [dreg:$0x2]  }
0x15: {  	[tilespmem:s19], [sflag:$0x2] =	stream.linear.gather [hbm4b:s18+s2], $0x40, $0x38;
	[tilespmem:$0x10080] =	vst v63  }
0x16: {  	_ =	swait.ge [sflag:s9], $0x40  }
0x17: {  	[sflag:s9] =	ssyncset.done $0x0  }
0x18: {  	[sflag:s9] =	ssyncadd.s32 $0xFFFFFFC0  }
0x19: {  	v3 =	vld [tilespmem:$0x10000];
	_ =	sdelay $0x4  }
0x1a: {  	v4 =	vshll.u32 v3, $0x3  }
0x1b: {  	v3 =	vand.u32 $0x7, v3;
	v4 =	vand.u32 $0xFFFFFFC0, v4  }
0x1c: {  	v3 =	vor.u32 v3, v4  }
0x1d: {  	v4 =	vperm.xlane v3, v0;
	_ =	sdelay $0x1  }
0x1e: {  	v4 =	vadd.s32 v1, v4;
	_ =	sdelay $0x4  }
0x1f: {  	[tilespmem:s2], [sflag:$0x1] =	stream.indirect_vreg.gather [hbm4b:s3+s2], $0x80, v4, vm0, $0xb8;
	[tilespmem:$0x10080] =	vst v63  }
0x20: {  	v3 =	vperm.xlane v3, v2  }
0x21: {  	[tilespmem:s20], [sflag:$0x1] =	stream.indirect_vreg.gather [hbm4b:s4+s2], $0x80, v4, vm0, $0xb8;
	[tilespmem:$0x10080] =	vst v63  }
0x22: {  	v3 =	vadd.s32 v1, v3  }
0x23: {  	[tilespmem:s21], [sflag:$0x1] =	stream.indirect_vreg.gather [hbm4b:s5+s2], $0x80, v4, vm0, $0xb8;
	[tilespmem:$0x10080] =	vst v63  }
0x24: {  	_ = 	snop  }
0x25: {  	[tilespmem:s22], [sflag:$0x1] =	stream.indirect_vreg.gather [hbm4b:s6+s2], $0x80, v4, vm0, $0xb8;
	[tilespmem:$0x10080] =	vst v63  }
0x26: {  	_ = 	snop  }
0x27: {  	[tilespmem:s23], [sflag:$0x1] =	stream.indirect_vreg.gather [hbm4b:s3+s2], $0x80, v3, vm0, $0xb8;
	[tilespmem:$0x10080] =	vst v63  }
0x28: {  	_ = 	snop  }
0x29: {  	[tilespmem:s24], [sflag:$0x1] =	stream.indirect_vreg.gather [hbm4b:s4+s2], $0x80, v3, vm0, $0xb8;
	[tilespmem:$0x10080] =	vst v63  }
0x2a: {  	_ = 	snop  }
0x2b: {  	[tilespmem:s25], [sflag:$0x1] =	stream.indirect_vreg.gather [hbm4b:s5+s2], $0x80, v3, vm0, $0xb8;
	[tilespmem:$0x10080] =	vst v63  }
0x2c: {  	_ = 	snop  }
0x2d: {  	[tilespmem:s26], [sflag:$0x1] =	stream.indirect_vreg.gather [hbm4b:s6+s2], $0x80, v3, vm0, $0xb8;
	[tilespmem:$0x10080] =	vst v63  }
0x2e: {  	v3 =	vld [tilespmem:$0x10010];
	_ =	sdelay $0x4  }
0x2f: {  	v57 =	vshll.u32 v3, $0x3  }
0x30: {  	v3 =	vand.u32 $0x7, v3;
	v4 =	vand.u32 $0xFFFFFFC0, v57  }
0x31: {  	v3 =	vor.u32 v3, v4  }
0x32: {  	v4 =	vperm.xlane v3, v0;
	_ =	sdelay $0x1  }
0x33: {  	v4 =	vadd.s32 v1, v4;
	_ =	sdelay $0x4  }
0x34: {  	[tilespmem:s28], [sflag:$0x1] =	stream.indirect_vreg.gather [hbm4b:s3+s2], $0x80, v4, vm0, $0xb8;
	[tilespmem:$0x10080] =	vst v63  }
0x35: {  	v3 =	vperm.xlane v3, v2  }
0x36: {  	[tilespmem:s29], [sflag:$0x1] =	stream.indirect_vreg.gather [hbm4b:s4+s2], $0x80, v4, vm0, $0xb8;
	[tilespmem:$0x10080] =	vst v63  }
0x37: {  	v3 =	vadd.s32 v1, v3  }
0x38: {  	[tilespmem:s30], [sflag:$0x1] =	stream.indirect_vreg.gather [hbm4b:s5+s2], $0x80, v4, vm0, $0xb8;
	[tilespmem:$0x10080] =	vst v63  }
0x39: {  	_ = 	snop  }
0x3a: {  	[tilespmem:s31], [sflag:$0x1] =	stream.indirect_vreg.gather [hbm4b:s6+s2], $0x80, v4, vm0, $0xb8;
	[tilespmem:$0x10080] =	vst v63  }
0x3b: {  	s0 =	simm.s32 $0x6000  }
0x3c: {  	[tilespmem:s0], [sflag:$0x1] =	stream.indirect_vreg.gather [hbm4b:s3+s2], $0x80, v3, vm0, $0xb8;
	[tilespmem:$0x10080] =	vst v63  }
0x3d: {  	_ = 	snop  }
0x3e: {  	[tilespmem:s1], [sflag:$0x1] =	stream.indirect_vreg.gather [hbm4b:s4+s2], $0x80, v3, vm0, $0xb8;
	[tilespmem:$0x10080] =	vst v63  }
0x3f: {  	_ = 	snop  }
0x40: {  	[tilespmem:s8], [sflag:$0x1] =	stream.indirect_vreg.gather [hbm4b:s5+s2], $0x80, v3, vm0, $0xb8;
	[tilespmem:$0x10080] =	vst v63  }
0x41: {  	_ = 	snop  }
0x42: {  	[tilespmem:s10], [sflag:$0x1] =	stream.indirect_vreg.gather [hbm4b:s6+s2], $0x80, v3, vm0, $0xb8;
	[tilespmem:$0x10080] =	vst v63  }
0x43: {  	v3 =	vld [tilespmem:$0x10020];
	_ =	sdelay $0x4  }
0x44: {  	v58 =	vshll.u32 v3, $0x3  }
0x45: {  	v3 =	vand.u32 $0x7, v3;
	v4 =	vand.u32 $0xFFFFFFC0, v58  }
0x46: {  	v3 =	vor.u32 v3, v4  }
0x47: {  	v4 =	vperm.xlane v3, v0;
	_ =	sdelay $0x1  }
0x48: {  	v4 =	vadd.s32 v1, v4;
	_ =	sdelay $0x4  }
0x49: {  	[tilespmem:s11], [sflag:$0x1] =	stream.indirect_vreg.gather [hbm4b:s3+s2], $0x80, v4, vm0, $0xb8;
	[tilespmem:$0x10080] =	vst v63  }
0x4a: {  	v3 =	vperm.xlane v3, v2  }
0x4b: {  	[tilespmem:s12], [sflag:$0x1] =	stream.indirect_vreg.gather [hbm4b:s4+s2], $0x80, v4, vm0, $0xb8;
	[tilespmem:$0x10080] =	vst v63  }
0x4c: {  	v3 =	vadd.s32 v1, v3  }
0x4d: {  	[tilespmem:s13], [sflag:$0x1] =	stream.indirect_vreg.gather [hbm4b:s5+s2], $0x80, v4, vm0, $0xb8;
	[tilespmem:$0x10080] =	vst v63  }
0x4e: {  	_ = 	snop  }
0x4f: {  	[tilespmem:s14], [sflag:$0x1] =	stream.indirect_vreg.gather [hbm4b:s6+s2], $0x80, v4, vm0, $0xb8;
	[tilespmem:$0x10080] =	vst v63  }
0x50: {  	_ = 	snop  }
0x51: {  	[tilespmem:s15], [sflag:$0x1] =	stream.indirect_vreg.gather [hbm4b:s3+s2], $0x80, v3, vm0, $0xb8;
	[tilespmem:$0x10080] =	vst v63  }
0x52: {  	_ = 	snop  }
0x53: {  	[tilespmem:s16], [sflag:$0x1] =	stream.indirect_vreg.gather [hbm4b:s4+s2], $0x80, v3, vm0, $0xb8;
	[tilespmem:$0x10080] =	vst v63  }
0x54: {  	s18 =	simm.s32 $0xB000  }
0x55: {  	[tilespmem:s18], [sflag:$0x1] =	stream.indirect_vreg.gather [hbm4b:s5+s2], $0x80, v3, vm0, $0xb8;
	[tilespmem:$0x10080] =	vst v63  }
0x56: {  	s18 =	simm.s32 $0xB800  }
0x57: {  	[tilespmem:s18], [sflag:$0x1] =	stream.indirect_vreg.gather [hbm4b:s6+s2], $0x80, v3, vm0, $0xb8;
	[tilespmem:$0x10080] =	vst v63  }
0x58: {  	v3 =	vld [tilespmem:$0x10030];
	_ =	sdelay $0x4  }
0x59: {  	v59 =	vshll.u32 v3, $0x3  }
0x5a: {  	v3 =	vand.u32 $0x7, v3;
	v4 =	vand.u32 $0xFFFFFFC0, v59  }
0x5b: {  	v3 =	vor.u32 v3, v4  }
0x5c: {  	v4 =	vperm.xlane v3, v0;
	_ =	sdelay $0x1  }
0x5d: {  	v4 =	vadd.s32 v1, v4;
	_ =	sdelay $0x3  }
0x5e: {  	s18 =	simm.s32 $0xC000  }
0x5f: {  	[tilespmem:s18], [sflag:$0x1] =	stream.indirect_vreg.gather [hbm4b:s3+s2], $0x80, v4, vm0, $0xb8;
	[tilespmem:$0x10080] =	vst v63  }
0x60: {  	v3 =	vperm.xlane v3, v2;
	s18 =	simm.s32 $0xC800  }
0x61: {  	[tilespmem:s18], [sflag:$0x1] =	stream.indirect_vreg.gather [hbm4b:s4+s2], $0x80, v4, vm0, $0xb8;
	[tilespmem:$0x10080] =	vst v63  }
0x62: {  	v3 =	vadd.s32 v1, v3;
	s18 =	simm.s32 $0xD000  }
0x63: {  	[tilespmem:s18], [sflag:$0x1] =	stream.indirect_vreg.gather [hbm4b:s5+s2], $0x80, v4, vm0, $0xb8;
	[tilespmem:$0x10080] =	vst v63  }
0x64: {  	s18 =	simm.s32 $0xD800  }
0x65: {  	[tilespmem:s18], [sflag:$0x1] =	stream.indirect_vreg.gather [hbm4b:s6+s2], $0x80, v4, vm0, $0xb8;
	[tilespmem:$0x10080] =	vst v63  }
0x66: {  	s18 =	simm.s32 $0xE000  }
0x67: {  	[tilespmem:s18], [sflag:$0x1] =	stream.indirect_vreg.gather [hbm4b:s3+s2], $0x80, v3, vm0, $0xb8;
	[tilespmem:$0x10080] =	vst v63  }
0x68: {  	s18 =	simm.s32 $0xE800  }
0x69: {  	[tilespmem:s18], [sflag:$0x1] =	stream.indirect_vreg.gather [hbm4b:s4+s2], $0x80, v3, vm0, $0xb8;
	[tilespmem:$0x10080] =	vst v63  }
0x6a: {  	s18 =	simm.s32 $0xF000  }
0x6b: {  	[tilespmem:s18], [sflag:$0x1] =	stream.indirect_vreg.gather [hbm4b:s5+s2], $0x80, v3, vm0, $0xb8;
	[tilespmem:$0x10080] =	vst v63  }
0x6c: {  	s18 =	simm.s32 $0xF800  }
0x6d: {  	[tilespmem:s18], [sflag:$0x1] =	stream.indirect_vreg.gather [hbm4b:s6+s2], $0x80, v3, vm0, $0xb8;
	[tilespmem:$0x10080] =	vst v63  }
0x6e: {  	_ =	swait.ge [sflag:s17], $0x10000  }
0x6f: {  	[sflag:s17] =	ssyncset.done $0x0  }
0x70: {  	s18 =	rddreg [dreg:$0x3];
	[sflag:s17] =	ssyncadd.s32 $0xFFFF0000  }
0x71: {  	[hbm4b:s18+s2] =	stream.linear.scatter [tilespmem:s2], [sflag:$0x2], $0x10000, $0x38;
	[tilespmem:$0x10080] =	vst v63  }
0x72: {  	_ =	swait.ge [sflag:s9], $0x10000  }
0x73: {  	[sflag:s9] =	ssyncset.done $0x0  }
0x74: {  	s18 =	rddreg [dreg:$0x4];
	[sflag:s9] =	ssyncadd.s32 $0xFFFF0000  }
0x75: {  	[tilespmem:s19], [sflag:$0x2] =	stream.linear.gather [hbm4b:s18+s2], $0x40, $0x38;
	[tilespmem:$0x10080] =	vst v63  }
0x76: {  	_ =	swait.ge [sflag:s9], $0x40  }
0x77: {  	[sflag:s9] =	ssyncset.done $0x0  }
0x78: {  	[sflag:s9] =	ssyncadd.s32 $0xFFFFFFC0  }
0x79: {  	v3 =	vld [tilespmem:$0x10000];
	_ =	sdelay $0x4  }
0x7a: {  	v60 =	vshll.u32 v3, $0x3  }
0x7b: {  	v3 =	vand.u32 $0x7, v3;
	v4 =	vand.u32 $0xFFFFFFC0, v60  }
0x7c: {  	v3 =	vor.u32 v3, v4  }
0x7d: {  	v4 =	vperm.xlane v3, v0;
	_ =	sdelay $0x1  }
0x7e: {  	v4 =	vadd.s32 v1, v4;
	_ =	sdelay $0x4  }
0x7f: {  	[tilespmem:s2], [sflag:$0x1] =	stream.indirect_vreg.gather [hbm4b:s3+s2], $0x80, v4, vm0, $0xb8;
	[tilespmem:$0x10080] =	vst v63  }
0x80: {  	v3 =	vperm.xlane v3, v2  }
0x81: {  	[tilespmem:s20], [sflag:$0x1] =	stream.indirect_vreg.gather [hbm4b:s4+s2], $0x80, v4, vm0, $0xb8;
	[tilespmem:$0x10080] =	vst v63  }
0x82: {  	v3 =	vadd.s32 v1, v3  }
0x83: {  	[tilespmem:s21], [sflag:$0x1] =	stream.indirect_vreg.gather [hbm4b:s5+s2], $0x80, v4, vm0, $0xb8;
	[tilespmem:$0x10080] =	vst v63  }
0x84: {  	_ = 	snop  }
0x85: {  	[tilespmem:s22], [sflag:$0x1] =	stream.indirect_vreg.gather [hbm4b:s6+s2], $0x80, v4, vm0, $0xb8;
	[tilespmem:$0x10080] =	vst v63  }
0x86: {  	_ = 	snop  }
0x87: {  	[tilespmem:s23], [sflag:$0x1] =	stream.indirect_vreg.gather [hbm4b:s3+s2], $0x80, v3, vm0, $0xb8;
	[tilespmem:$0x10080] =	vst v63  }
0x88: {  	_ = 	snop  }
0x89: {  	[tilespmem:s24], [sflag:$0x1] =	stream.indirect_vreg.gather [hbm4b:s4+s2], $0x80, v3, vm0, $0xb8;
	[tilespmem:$0x10080] =	vst v63  }
0x8a: {  	_ = 	snop  }
0x8b: {  	[tilespmem:s25], [sflag:$0x1] =	stream.indirect_vreg.gather [hbm4b:s5+s2], $0x80, v3, vm0, $0xb8;
	[tilespmem:$0x10080] =	vst v63  }
0x8c: {  	_ = 	snop  }
0x8d: {  	[tilespmem:s26], [sflag:$0x1] =	stream.indirect_vreg.gather [hbm4b:s6+s2], $0x80, v3, vm0, $0xb8;
	[tilespmem:$0x10080] =	vst v63  }
0x8e: {  	v3 =	vld [tilespmem:$0x10010];
	_ =	sdelay $0x4  }
0x8f: {  	v61 =	vshll.u32 v3, $0x3  }
0x90: {  	v3 =	vand.u32 $0x7, v3;
	v4 =	vand.u32 $0xFFFFFFC0, v61  }
0x91: {  	v3 =	vor.u32 v3, v4  }
0x92: {  	v4 =	vperm.xlane v3, v0;
	_ =	sdelay $0x1  }
0x93: {  	v4 =	vadd.s32 v1, v4;
	_ =	sdelay $0x4  }
0x94: {  	[tilespmem:s28], [sflag:$0x1] =	stream.indirect_vreg.gather [hbm4b:s3+s2], $0x80, v4, vm0, $0xb8;
	[tilespmem:$0x10080] =	vst v63  }
0x95: {  	v3 =	vperm.xlane v3, v2  }
0x96: {  	[tilespmem:s29], [sflag:$0x1] =	stream.indirect_vreg.gather [hbm4b:s4+s2], $0x80, v4, vm0, $0xb8;
	[tilespmem:$0x10080] =	vst v63  }
0x97: {  	v3 =	vadd.s32 v1, v3  }
0x98: {  	[tilespmem:s30], [sflag:$0x1] =	stream.indirect_vreg.gather [hbm4b:s5+s2], $0x80, v4, vm0, $0xb8;
	[tilespmem:$0x10080] =	vst v63  }
0x99: {  	_ = 	snop  }
0x9a: {  	[tilespmem:s31], [sflag:$0x1] =	stream.indirect_vreg.gather [hbm4b:s6+s2], $0x80, v4, vm0, $0xb8;
	[tilespmem:$0x10080] =	vst v63  }
0x9b: {  	_ = 	snop  }
0x9c: {  	[tilespmem:s0], [sflag:$0x1] =	stream.indirect_vreg.gather [hbm4b:s3+s2], $0x80, v3, vm0, $0xb8;
	[tilespmem:$0x10080] =	vst v63  }
0x9d: {  	_ = 	snop  }
0x9e: {  	[tilespmem:s1], [sflag:$0x1] =	stream.indirect_vreg.gather [hbm4b:s4+s2], $0x80, v3, vm0, $0xb8;
	[tilespmem:$0x10080] =	vst v63  }
0x9f: {  	_ = 	snop  }
0xa0: {  	[tilespmem:s8], [sflag:$0x1] =	stream.indirect_vreg.gather [hbm4b:s5+s2], $0x80, v3, vm0, $0xb8;
	[tilespmem:$0x10080] =	vst v63  }
0xa1: {  	_ = 	snop  }
0xa2: {  	[tilespmem:s10], [sflag:$0x1] =	stream.indirect_vreg.gather [hbm4b:s6+s2], $0x80, v3, vm0, $0xb8;
	[tilespmem:$0x10080] =	vst v63  }
0xa3: {  	v3 =	vld [tilespmem:$0x10020];
	_ =	sdelay $0x4  }
0xa4: {  	v62 =	vshll.u32 v3, $0x3  }
0xa5: {  	v3 =	vand.u32 $0x7, v3;
	v4 =	vand.u32 $0xFFFFFFC0, v62  }
0xa6: {  	v3 =	vor.u32 v3, v4  }
0xa7: {  	v4 =	vperm.xlane v3, v0;
	_ =	sdelay $0x1  }
0xa8: {  	v4 =	vadd.s32 v1, v4;
	_ =	sdelay $0x4  }
0xa9: {  	[tilespmem:s11], [sflag:$0x1] =	stream.indirect_vreg.gather [hbm4b:s3+s2], $0x80, v4, vm0, $0xb8;
	[tilespmem:$0x10080] =	vst v63  }
0xaa: {  	v3 =	vperm.xlane v3, v2  }
0xab: {  	[tilespmem:s12], [sflag:$0x1] =	stream.indirect_vreg.gather [hbm4b:s4+s2], $0x80, v4, vm0, $0xb8;
	[tilespmem:$0x10080] =	vst v63  }
0xac: {  	v3 =	vadd.s32 v1, v3  }
0xad: {  	[tilespmem:s13], [sflag:$0x1] =	stream.indirect_vreg.gather [hbm4b:s5+s2], $0x80, v4, vm0, $0xb8;
	[tilespmem:$0x10080] =	vst v63  }
0xae: {  	_ = 	snop  }
0xaf: {  	[tilespmem:s14], [sflag:$0x1] =	stream.indirect_vreg.gather [hbm4b:s6+s2], $0x80, v4, vm0, $0xb8;
	[tilespmem:$0x10080] =	vst v63  }
0xb0: {  	_ = 	snop  }
0xb1: {  	[tilespmem:s15], [sflag:$0x1] =	stream.indirect_vreg.gather [hbm4b:s3+s2], $0x80, v3, vm0, $0xb8;
	[tilespmem:$0x10080] =	vst v63  }
0xb2: {  	_ = 	snop  }
0xb3: {  	[tilespmem:s16], [sflag:$0x1] =	stream.indirect_vreg.gather [hbm4b:s4+s2], $0x80, v3, vm0, $0xb8;
	[tilespmem:$0x10080] =	vst v63  }
0xb4: {  	s18 =	simm.s32 $0xB000  }
0xb5: {  	[tilespmem:s18], [sflag:$0x1] =	stream.indirect_vreg.gather [hbm4b:s5+s2], $0x80, v3, vm0, $0xb8;
	[tilespmem:$0x10080] =	vst v63  }
0xb6: {  	s18 =	simm.s32 $0xB800  }
0xb7: {  	[tilespmem:s18], [sflag:$0x1] =	stream.indirect_vreg.gather [hbm4b:s6+s2], $0x80, v3, vm0, $0xb8;
	[tilespmem:$0x10080] =	vst v63  }
0xb8: {  	v3 =	vld [tilespmem:$0x10030];
	_ =	sdelay $0x4  }
0xb9: {  	v63 =	vshll.u32 v3, $0x3  }
0xba: {  	v3 =	vand.u32 $0x7, v3;
	v4 =	vand.u32 $0xFFFFFFC0, v63  }
0xbb: {  	v3 =	vor.u32 v3, v4  }
0xbc: {  	v4 =	vperm.xlane v3, v0;
	_ =	sdelay $0x1  }
0xbd: {  	v4 =	vadd.s32 v1, v4;
	_ =	sdelay $0x3  }
0xbe: {  	s18 =	simm.s32 $0xC000  }
0xbf: {  	[tilespmem:s18], [sflag:$0x1] =	stream.indirect_vreg.gather [hbm4b:s3+s2], $0x80, v4, vm0, $0xb8;
	[tilespmem:$0x10080] =	vst v63  }
0xc0: {  	v3 =	vperm.xlane v3, v2;
	s18 =	simm.s32 $0xC800  }
0xc1: {  	[tilespmem:s18], [sflag:$0x1] =	stream.indirect_vreg.gather [hbm4b:s4+s2], $0x80, v4, vm0, $0xb8;
	[tilespmem:$0x10080] =	vst v63  }
0xc2: {  	v3 =	vadd.s32 v1, v3;
	s18 =	simm.s32 $0xD000  }
0xc3: {  	[tilespmem:s18], [sflag:$0x1] =	stream.indirect_vreg.gather [hbm4b:s5+s2], $0x80, v4, vm0, $0xb8;
	[tilespmem:$0x10080] =	vst v63  }
0xc4: {  	s18 =	simm.s32 $0xD800  }
0xc5: {  	[tilespmem:s18], [sflag:$0x1] =	stream.indirect_vreg.gather [hbm4b:s6+s2], $0x80, v4, vm0, $0xb8;
	[tilespmem:$0x10080] =	vst v63  }
0xc6: {  	s18 =	simm.s32 $0xE000  }
0xc7: {  	[tilespmem:s18], [sflag:$0x1] =	stream.indirect_vreg.gather [hbm4b:s3+s2], $0x80, v3, vm0, $0xb8;
	[tilespmem:$0x10080] =	vst v63  }
0xc8: {  	s18 =	simm.s32 $0xE800  }
0xc9: {  	[tilespmem:s18], [sflag:$0x1] =	stream.indirect_vreg.gather [hbm4b:s4+s2], $0x80, v3, vm0, $0xb8;
	[tilespmem:$0x10080] =	vst v63  }
0xca: {  	s18 =	simm.s32 $0xF000  }
0xcb: {  	[tilespmem:s18], [sflag:$0x1] =	stream.indirect_vreg.gather [hbm4b:s5+s2], $0x80, v3, vm0, $0xb8;
	[tilespmem:$0x10080] =	vst v63  }
0xcc: {  	s18 =	simm.s32 $0xF800  }
0xcd: {  	[tilespmem:s18], [sflag:$0x1] =	stream.indirect_vreg.gather [hbm4b:s6+s2], $0x80, v3, vm0, $0xb8;
	[tilespmem:$0x10080] =	vst v63  }
0xce: {  	_ =	swait.ge [sflag:s17], $0x10000  }
0xcf: {  	p0 =	sne.s32 s7, $0x1;
	[sflag:s17] =	ssyncset.done $0x0  }
.Ltmp0:
0xd0: {  	s0 =	rddreg [dreg:$0x5];
	[sflag:s17] =	ssyncadd.s32 $0xFFFF0000;
	(pc) =	sbr.rel @p0 .LBB2_1-.Ltmp0, $4  }
0xd1: {  	[hbm4b:s0+s2] =	stream.linear.scatter [tilespmem:s2], [sflag:$0x2], $0x10000, $0x38;
	[tilespmem:$0x10080] =	vst v63  }
0xd2: {  	_ =	swait.ge [sflag:s9], $0x10000  }
0xd3: {  	[sflag:s9] =	ssyncset.done $0x0  }
0xd4: {  	s7 =	sadd.s32 $0xFFFFFFFF, s7;
	[sflag:s9] =	ssyncadd.s32 $0xFFFF0000  }
0xd5: {  	_ =	sfence.sel $0x180000  }
0xd6: {  	[bflag:$0x0] =	sbarrier.arrive $0xFFFF  }
0xd7: {  	_ =	strace $0x9000004A  }
0xd8: {  	s0 =	stileid.u32;
	[bflag:$0x2] =	sbarrier.arrive $0xFFFF  }
0xd9: {  	p0 =	sne.s32 s0, $0x0;
	s0 =	rddreg [dreg:$0x1]  }
0xda: {  	s0 =	sadd.s32 @!p0 $0x100000, s0  }
0xdb: {  	[sflag:s0] =	ssyncadd.tile.s32 @!p0 $0x1;
	_ =	shalt  }
.Lfunc_end2:
_tile_overlayer_lowered:
.L_overlay_start_2:
0xdc: {  	(tag) =	ssettag $0x2  }
0xdd: {  	s0 =	rddreg [dreg:$0x0];
	s2 =	stileid.u32  }
0xde: {  	s1 =	rddreg [dreg:$0x1];
	p0 =	sne.s32 s2, $0x0  }
0xdf: {  	s3 =	rddreg [dreg:$0x2];
	[bflag:$0x3] =	sbarrier.arrive $0xFFFF;
	s2 =	simm.s32 @!p0 $0x1C02  }
0xe0: {  	[timem:s3], [sflag:s2] =	dma.local @!p0 [hbm:s0], s1  }
0xe1: {  	s0 =	simm.s32 @!p0 $0x2  }
0xe2: {  	_ =	swait.ge @!p0 [sflag:s0], s1  }
0xe3: {  	s1 =	ssub.s32 @!p0 $0x0, s1;
	[sflag:s0] =	ssyncset.done @!p0 $0x0  }
0xe4: {  	[sflag:s0] =	ssyncadd.s32 @!p0 s1  }
0xe5: {  	[bflag:$0x3] =	sbarrier.arrive $0xFFFF  }
0xe6: {  	_ =	shalt  }

</sc_bundles>
